<compile_context>
chip_gen: v7x
topology: tpu7x:2x2x1
jax: 0.10.2.dev20260603
libtpu: 0.0.44.dev20260713+nightly
codegen_flags: <defaults>
</compile_context>

<pallas_src>
import functools

import jax
import jax.numpy as jnp
from jax import lax
from jax.experimental import pallas as pl
from jax.experimental.pallas import tpu as pltpu
from jax.experimental.pallas import tpu_sc as plsc

EMB = 16
NEG = 20
HIST = 200
POI = 1000000
BLK = 128
NC, NS = 2, 16
NW = NC * NS
GSLOT = 256
NROWS_PER_W = 11


def _sc_gather_body(gi_hbm, pp_hbm, gs_hbm, up_hbm, hist_hbm, sidx_hbm,
                    out_hbm,
                    gidx_v, s1_v, s2_v, blk_v, row_v, isem, bsem):
    wid = lax.axis_index("s") * NC + lax.axis_index("c")
    gbase = jnp.minimum(wid * 8, 192)
    lanes16 = lax.iota(jnp.int32, 16)

    iloads = [
        pltpu.async_copy(hist_hbm.at[pl.ds(gbase, 16)], gidx_v, isem),
        pltpu.async_copy(sidx_hbm.at[pl.ds(0, 16)], s1_v, isem),
        pltpu.async_copy(sidx_hbm.at[pl.ds(16, 16)], s2_v, isem),
    ]
    for c in iloads:
        c.wait()

    def extract(vec, k):
        return jnp.sum(jnp.where(lanes16 == k, vec, 0))

    svec = jnp.where(wid >= 16, s2_v[...], s1_v[...])
    rp = extract(svec, wid & 15)

    gvec = gidx_v[...]
    rs = [extract(gvec, k) for k in range(8)]
    rs.append(rp)
    rs.append(rp)
    rs.append(extract(s2_v[...], 5))
    rs = [lax.clamp(0, r, POI - 1) for r in rs]
    tbls = [gi_hbm] * 8 + [pp_hbm, gs_hbm, up_hbm]

    def fire(k):
        col0 = pl.multiple_of(rs[k] & ~(BLK - 1), BLK)
        return pltpu.async_copy(
            tbls[k].at[:, pl.ds(col0, BLK)], blk_v.at[k], bsem)

    @pl.when(wid < 25)
    def _():
        gh = [fire(k) for k in range(8)]

        @pl.when(wid < NEG + 1)
        def _():
            ph = [fire(8), fire(9)]

            @pl.when(wid == 0)
            def _():
                fire(10).wait()

            for c in ph:
                c.wait()

        for c in gh:
            c.wait()
    for k in range(NROWS_PER_W):
        lane_vec = jnp.full((16,), rs[k] & (BLK - 1), jnp.int32)
        row_v[0, k] = plsc.load_gather(blk_v.at[k], [lanes16, lane_vec])

    pltpu.sync_copy(row_v, out_hbm.at[pl.ds(wid, 1)])


@functools.cache
def _sc_gather_kernel():
    return pl.kernel(
        _sc_gather_body,
        mesh=plsc.VectorSubcoreMesh(core_axis_name="c", subcore_axis_name="s"),
        out_type=jax.ShapeDtypeStruct((NW, NROWS_PER_W, EMB), jnp.float32),
        scratch_types=[
            pltpu.VMEM((16,), jnp.int32),
            pltpu.VMEM((16,), jnp.int32),
            pltpu.VMEM((16,), jnp.int32),
            pltpu.VMEM((NROWS_PER_W, EMB, BLK), jnp.float32),
            pltpu.VMEM((1, NROWS_PER_W, EMB), jnp.float32),
            pltpu.SemaphoreType.DMA,
            pltpu.SemaphoreType.DMA,
        ],
        compiler_params=pltpu.CompilerParams(disable_bounds_checks=True,
                                             needs_layout_passes=False),
    )


def _tc_body(a_ref, b_ref, cuj_ref, d_ref, ngd_ref, rows_ref, out_ref):
    a = a_ref[0]
    b = b_ref[0]
    cujf = cuj_ref[0].astype(jnp.float32)
    g = jnp.reshape(rows_ref[:, 0:8, :], (GSLOT, EMB))[0:HIST]
    p = jnp.reshape(rows_ref[:, 8:9, :], (NW, EMB))
    h = jnp.reshape(rows_ref[:, 9:10, :], (NW, EMB))
    u8 = jnp.reshape(rows_ref[0:8, 10:11, :], (8, EMB))
    ulane = lax.broadcasted_iota(jnp.int32, (8, EMB), 0)
    u_m = jnp.where(ulane == 0, u8, 0.0)
    fd = a * jnp.power(d_ref[...], b)
    fng = a * jnp.power(ngd_ref[...], b)
    s = lax.dot_general(h, g, (((1,), (1,)), ((), ())),
                        preferred_element_type=jnp.float32)
    tz = lax.dot_general(p, u_m, (((1,), (1,)), ((), ())),
                         preferred_element_type=jnp.float32)
    ts = jnp.sum(tz, axis=1, keepdims=True)
    y0 = jnp.sum(fd * s[0:1], axis=1, keepdims=True) * (1.0 / HIST)
    yng = jnp.sum(fng * s[1:NEG + 1], axis=1, keepdims=True) * (1.0 / HIST)
    t0 = -(ts[0:1] + y0)
    tng = ts[1:NEG + 1] + yng
    sp0 = jnp.maximum(t0, 0.0) + jnp.log1p(jnp.exp(-jnp.abs(t0)))
    spn = jnp.maximum(tng, 0.0) + jnp.log1p(jnp.exp(-jnp.abs(tng)))
    loss = -(jnp.sum(sp0) + jnp.sum(spn))
    wuj = 1.0 + jnp.log(1.0 + cujf * (10.0 ** 10))
    out_ref[...] = jnp.full((1, 1), -wuj * loss, jnp.float32)


_tc_call = pl.pallas_call(
    _tc_body,
    out_shape=jax.ShapeDtypeStruct((1, 1), jnp.float32),
    in_specs=[
        pl.BlockSpec(memory_space=pltpu.SMEM),
        pl.BlockSpec(memory_space=pltpu.SMEM),
        pl.BlockSpec(memory_space=pltpu.SMEM),
        pl.BlockSpec(memory_space=pltpu.VMEM),
        pl.BlockSpec(memory_space=pltpu.VMEM),
        pl.BlockSpec(memory_space=pltpu.VMEM),
    ],
    out_specs=pl.BlockSpec(memory_space=pltpu.VMEM),
)


def kernel(cuj, user_id, target, neg_p, History, distance, ng_distance,
           a, b, UserPreference, PoiPreference, GeoInfluence,
           GeoSusceptibility):
    sidx = jnp.concatenate([
        jnp.asarray(target, jnp.int32).reshape(1),
        jnp.asarray(neg_p, jnp.int32).reshape(NEG),
        jnp.full((11,), user_id, jnp.int32),
    ])
    rows = _sc_gather_kernel()(
        GeoInfluence.T, PoiPreference.T, GeoSusceptibility.T,
        UserPreference.T, History.astype(jnp.int32), sidx)

    cuj_a = jnp.reshape(jnp.asarray(cuj, jnp.int32), (1,))
    return _tc_call(a, b, cuj_a, distance.reshape(1, HIST), ng_distance,
                    rows)

# --- scband reference (transcript-rebuilt; emitter-appended) ---
"""Pipeline reference for scband-geo-ie-past-77214922047875 (READ-ONLY COPY).

The authoritative reference and input builder live on the scoring server;
editing this copy changes nothing except your own understanding.
"""

import jax, jax.numpy as jnp
import numpy as np

USER_COUNT = 1000000
POI_COUNT = 1000000
EMB = 16
NEG = 20
HIST = 200
SCALING = 10


def setup_inputs(seed: int = 0) -> dict:
    key = jax.random.key(seed)
    ks = jax.random.split(key, 11)
    inp = {}
    # scalar python ints (harness treats shape=[] int as python int)
    inp['cuj'] = 3
    inp['user_id'] = 12345
    inp['target'] = jax.random.randint(ks[0], (1,), 0, POI_COUNT)
    inp['neg_p'] = jax.random.randint(ks[1], (NEG,), 0, POI_COUNT)
    inp['History'] = jax.random.randint(ks[2], (HIST,), 0, POI_COUNT)
    inp['distance'] = jax.random.uniform(ks[3], (HIST,), dtype=jnp.float32)
    inp['ng_distance'] = jax.random.uniform(ks[4], (NEG, HIST), dtype=jnp.float32)
    # learned parameters
    inp['a'] = jax.random.uniform(ks[5], (1,), dtype=jnp.float32)
    inp['b'] = jax.random.uniform(ks[6], (1,), dtype=jnp.float32)
    std_u = float((2.0 / (USER_COUNT + EMB)) ** 0.5)
    std_p = float((2.0 / (POI_COUNT + EMB)) ** 0.5)
    inp['UserPreference'] = jax.random.normal(ks[7], (USER_COUNT, EMB), dtype=jnp.float32) * std_u
    inp['PoiPreference'] = jax.random.normal(ks[8], (POI_COUNT, EMB), dtype=jnp.float32) * std_p
    inp['GeoInfluence'] = jax.random.normal(ks[9], (POI_COUNT, EMB), dtype=jnp.float32) * std_p
    inp['GeoSusceptibility'] = jax.random.normal(ks[10], (POI_COUNT, EMB), dtype=jnp.float32) * std_p
    return inp


def reference(cuj, user_id, target, neg_p, History, distance, ng_distance,
              a, b, UserPreference, PoiPreference, GeoInfluence, GeoSusceptibility):
    # wuj = 1 + log(1 + cuj * 10**scaling)
    wuj = 1.0 + jnp.log(1.0 + jnp.float32(cuj) * (10.0 ** SCALING))
    # a.item()/b.item() in torch => constants (no grad path through a, b)
    a_c = jax.lax.stop_gradient(a[0])
    b_c = jax.lax.stop_gradient(b[0])
    fij = a_c * jnp.power(distance, b_c)           # [HIST]
    ng_fij = a_c * jnp.power(ng_distance, b_c)     # [NEG, HIST]
    history_num = History.shape[0]
    UPre = UserPreference[jnp.array([user_id])]    # [1, EMB]  (gather)
    PPre = PoiPreference[target]                   # [1, EMB]
    hj = GeoSusceptibility[target]                 # [1, EMB]
    g = GeoInfluence[History]                      # [HIST, EMB]
    yij = (fij * (hj @ g.T)).sum() / float(history_num)
    tz = UPre @ PPre.T                             # [1, 1]
    suj = jnp.log(jax.nn.sigmoid(tz + yij))
    loss = suj
    for j in range(NEG):
        ng_f = ng_fij[j]                           # [HIST]
        NegPPre = PoiPreference[neg_p[j:j + 1]]    # [1, EMB]
        Neghj = GeoSusceptibility[neg_p[j:j + 1]]  # [1, EMB]
        ng_yij = (ng_f * (Neghj @ g.T)).sum() / float(history_num)
        ng_tz = UPre @ NegPPre.T
        loss = loss + jnp.log(1.0 - jax.nn.sigmoid(ng_tz + ng_yij))
    L = wuj * loss
    return -L

if __name__ == "__main__":
    import jax
    _d = setup_inputs()
    print(jax.jit(kernel)(*tuple(_d.values())))

</pallas_src>

<mosaic_0001>
#map = affine_map<(d0, d1) -> (0, 0)>
#map1 = affine_map<(d0, d1) -> (0)>
#map2 = affine_map<(d0, d1) -> (0, 0, 0)>
module attributes {stable_mosaic.version = 14 : i64} {
  func.func @_sc_gather_body(%arg0: i32, %arg1: i32, %arg2: memref<16x1000000xf32, #tpu.memory_space<hbm>>, %arg3: memref<16x1000000xf32, #tpu.memory_space<hbm>>, %arg4: memref<16x1000000xf32, #tpu.memory_space<hbm>>, %arg5: memref<16x1000000xf32, #tpu.memory_space<hbm>>, %arg6: memref<200xi32, #tpu.memory_space<hbm>>, %arg7: memref<32xi32, #tpu.memory_space<hbm>>, %arg8: memref<32x11x16xf32, #tpu.memory_space<hbm>>, %arg9: memref<16xi32, #tpu.memory_space<vmem>>, %arg10: memref<16xi32, #tpu.memory_space<vmem>>, %arg11: memref<16xi32, #tpu.memory_space<vmem>>, %arg12: memref<11x16x128xf32, #tpu.memory_space<vmem>>, %arg13: memref<1x11x16xf32, #tpu.memory_space<vmem>>, %arg14: memref<!tpu.dma_semaphore, #tpu.memory_space<semaphore_mem>>, %arg15: memref<!tpu.dma_semaphore, #tpu.memory_space<semaphore_mem>>) attributes {dimension_semantics = [#tpu.dimension_semantics<core_parallel>, #tpu.dimension_semantics<subcore_parallel>], iteration_bounds = array<i64: 2, 16>, scalar_prefetch = 0 : i64, scratch_operands = 7 : i64, tpu.core_type = #tpu.core_type<sc_vector_subcore>, window_params = [{transform_indices = #map}, {transform_indices = #map}, {transform_indices = #map}, {transform_indices = #map}, {transform_indices = #map1}, {transform_indices = #map1}, {transform_indices = #map2}]} {
    %mul3A = arith.constant 2 : i32
    %mul3A_0 = arith.muli %arg1, %mul3A : i32
    %add3A = arith.addi %mul3A_0, %arg0 : i32
    %mul3A_1 = arith.constant 8 : i32
    %mul3A_2 = arith.muli %add3A, %mul3A_1 : i32
    %min3A = arith.constant 192 : i32
    %min3A_3 = arith.minsi %mul3A_2, %min3A : i32
    %iota3A = tpu.iota {dimensions = array<i32: 0>} : vector<16xi32>
    %dma_start3A = tpu.memref_slice %arg6[%min3A_3] : memref<200xi32, #tpu.memory_space<hbm>> -> memref<16xi32, #tpu.memory_space<hbm>>
    %dma_start3A_4 = tpu.memref_slice %arg6[%min3A_3] : memref<200xi32, #tpu.memory_space<hbm>> -> memref<16xi32, #tpu.memory_space<hbm>>
    tpu.enqueue_dma source(%dma_start3A_4 : memref<16xi32, #tpu.memory_space<hbm>>) target(%arg9 : memref<16xi32, #tpu.memory_space<vmem>>) target_semaphore(%arg14 : memref<!tpu.dma_semaphore, #tpu.memory_space<semaphore_mem>>)
    %dma_start3A_5 = arith.constant 0 : i32
    %dma_start3A_6 = tpu.memref_slice %arg7[%dma_start3A_5] : memref<32xi32, #tpu.memory_space<hbm>> -> memref<16xi32, #tpu.memory_space<hbm>>
    %dma_start3A_7 = arith.constant 0 : i32
    %dma_start3A_8 = tpu.memref_slice %arg7[%dma_start3A_7] : memref<32xi32, #tpu.memory_space<hbm>> -> memref<16xi32, #tpu.memory_space<hbm>>
    tpu.enqueue_dma source(%dma_start3A_8 : memref<16xi32, #tpu.memory_space<hbm>>) target(%arg10 : memref<16xi32, #tpu.memory_space<vmem>>) target_semaphore(%arg14 : memref<!tpu.dma_semaphore, #tpu.memory_space<semaphore_mem>>)
    %dma_start3A_9 = arith.constant 16 : i32
    %dma_start3A_10 = tpu.memref_slice %arg7[%dma_start3A_9] : memref<32xi32, #tpu.memory_space<hbm>> -> memref<16xi32, #tpu.memory_space<hbm>>
    %dma_start3A_11 = arith.constant 16 : i32
    %dma_start3A_12 = tpu.memref_slice %arg7[%dma_start3A_11] : memref<32xi32, #tpu.memory_space<hbm>> -> memref<16xi32, #tpu.memory_space<hbm>>
    tpu.enqueue_dma source(%dma_start3A_12 : memref<16xi32, #tpu.memory_space<hbm>>) target(%arg11 : memref<16xi32, #tpu.memory_space<vmem>>) target_semaphore(%arg14 : memref<!tpu.dma_semaphore, #tpu.memory_space<semaphore_mem>>)
    %dma_wait3A = tpu.memref_slice %arg6[%min3A_3] : memref<200xi32, #tpu.memory_space<hbm>> -> memref<16xi32, #tpu.memory_space<hbm>>
    %dma_wait3A_13 = tpu.memref_slice %arg6[%min3A_3] : memref<200xi32, #tpu.memory_space<hbm>> -> memref<16xi32, #tpu.memory_space<hbm>>
    tpu.wait_dma2 semaphore(%arg14 : memref<!tpu.dma_semaphore, #tpu.memory_space<semaphore_mem>>) src(%dma_wait3A_13 : memref<16xi32, #tpu.memory_space<hbm>>) dst(%arg9 : memref<16xi32, #tpu.memory_space<vmem>>)
    %dma_wait3A_14 = arith.constant 0 : i32
    %dma_wait3A_15 = tpu.memref_slice %arg7[%dma_wait3A_14] : memref<32xi32, #tpu.memory_space<hbm>> -> memref<16xi32, #tpu.memory_space<hbm>>
    %dma_wait3A_16 = arith.constant 0 : i32
    %dma_wait3A_17 = tpu.memref_slice %arg7[%dma_wait3A_16] : memref<32xi32, #tpu.memory_space<hbm>> -> memref<16xi32, #tpu.memory_space<hbm>>
    tpu.wait_dma2 semaphore(%arg14 : memref<!tpu.dma_semaphore, #tpu.memory_space<semaphore_mem>>) src(%dma_wait3A_17 : memref<16xi32, #tpu.memory_space<hbm>>) dst(%arg10 : memref<16xi32, #tpu.memory_space<vmem>>)
    %dma_wait3A_18 = arith.constant 16 : i32
    %dma_wait3A_19 = tpu.memref_slice %arg7[%dma_wait3A_18] : memref<32xi32, #tpu.memory_space<hbm>> -> memref<16xi32, #tpu.memory_space<hbm>>
    %dma_wait3A_20 = arith.constant 16 : i32
    %dma_wait3A_21 = tpu.memref_slice %arg7[%dma_wait3A_20] : memref<32xi32, #tpu.memory_space<hbm>> -> memref<16xi32, #tpu.memory_space<hbm>>
    tpu.wait_dma2 semaphore(%arg14 : memref<!tpu.dma_semaphore, #tpu.memory_space<semaphore_mem>>) src(%dma_wait3A_21 : memref<16xi32, #tpu.memory_space<hbm>>) dst(%arg11 : memref<16xi32, #tpu.memory_space<vmem>>)
    %ge3A = arith.constant 16 : i32
    %ge3A_22 = arith.cmpi sge, %add3A, %ge3A : i32
    %get3A = arith.constant 0 : index
    %get3A_23 = tpu.vector_load %arg11[%get3A] {strides = array<i32>} : memref<16xi32, #tpu.memory_space<vmem>>, vector<16xi32>,
    %get3A_24 = arith.constant 0 : index
    %get3A_25 = tpu.vector_load %arg10[%get3A_24] {strides = array<i32>} : memref<16xi32, #tpu.memory_space<vmem>>, vector<16xi32>,
    %select_n3A = arith.select %ge3A_22, %get3A_23, %get3A_25 : vector<16xi32>
    %and3A = arith.constant 15 : i32
    %and3A_26 = arith.andi %add3A, %and3A : i32
    %eq3A = vector.broadcast %and3A_26 : i32 to vector<16xi32>
    %eq3A_27 = arith.cmpi eq, %iota3A, %eq3A : vector<16xi32>
    %jit3A = arith.constant 0 : i32
    %broadcast_in_dim3A = vector.broadcast %jit3A : i32 to vector<16xi32>
    %select_n3A_28 = arith.select %eq3A_27, %select_n3A, %broadcast_in_dim3A : vector<16xi1>, vector<16xi32>
    %reduce_sum3A = arith.constant true
    %reduce_sum3A_29 = vector.broadcast %reduce_sum3A : i1 to vector<16xi1>
    %reduce_sum3A_30 = tpu.scan <sum>, %select_n3A_28 masked %reduce_sum3A_29 : vector<16xi32>, vector<16xi1> -> vector<16xi32>
    %reduce_sum3A_31 = vector.extract %reduce_sum3A_30[15] : i32 from vector<16xi32>
    %get3A_32 = arith.constant 0 : index
    %get3A_33 = tpu.vector_load %arg9[%get3A_32] {strides = array<i32>} : memref<16xi32, #tpu.memory_space<vmem>>, vector<16xi32>,
    %eq3A_34 = arith.constant 0 : i32
    %eq3A_35 = vector.broadcast %eq3A_34 : i32 to vector<16xi32>
    %eq3A_36 = arith.cmpi eq, %iota3A, %eq3A_35 : vector<16xi32>
    %jit3A_37 = arith.constant 0 : i32
    %broadcast_in_dim3A_38 = vector.broadcast %jit3A_37 : i32 to vector<16xi32>
    %select_n3A_39 = arith.select %eq3A_36, %get3A_33, %broadcast_in_dim3A_38 : vector<16xi1>, vector<16xi32>
    %reduce_sum3A_40 = arith.constant true
    %reduce_sum3A_41 = vector.broadcast %reduce_sum3A_40 : i1 to vector<16xi1>
    %reduce_sum3A_42 = tpu.scan <sum>, %select_n3A_39 masked %reduce_sum3A_41 : vector<16xi32>, vector<16xi1> -> vector<16xi32>
    %reduce_sum3A_43 = vector.extract %reduce_sum3A_42[15] : i32 from vector<16xi32>
    %eq3A_44 = arith.constant 1 : i32
    %eq3A_45 = vector.broadcast %eq3A_44 : i32 to vector<16xi32>
    %eq3A_46 = arith.cmpi eq, %iota3A, %eq3A_45 : vector<16xi32>
    %jit3A_47 = arith.constant 0 : i32
    %broadcast_in_dim3A_48 = vector.broadcast %jit3A_47 : i32 to vector<16xi32>
    %select_n3A_49 = arith.select %eq3A_46, %get3A_33, %broadcast_in_dim3A_48 : vector<16xi1>, vector<16xi32>
    %reduce_sum3A_50 = arith.constant true
    %reduce_sum3A_51 = vector.broadcast %reduce_sum3A_50 : i1 to vector<16xi1>
    %reduce_sum3A_52 = tpu.scan <sum>, %select_n3A_49 masked %reduce_sum3A_51 : vector<16xi32>, vector<16xi1> -> vector<16xi32>
    %reduce_sum3A_53 = vector.extract %reduce_sum3A_52[15] : i32 from vector<16xi32>
    %eq3A_54 = arith.constant 2 : i32
    %eq3A_55 = vector.broadcast %eq3A_54 : i32 to vector<16xi32>
    %eq3A_56 = arith.cmpi eq, %iota3A, %eq3A_55 : vector<16xi32>
    %jit3A_57 = arith.constant 0 : i32
    %broadcast_in_dim3A_58 = vector.broadcast %jit3A_57 : i32 to vector<16xi32>
    %select_n3A_59 = arith.select %eq3A_56, %get3A_33, %broadcast_in_dim3A_58 : vector<16xi1>, vector<16xi32>
    %reduce_sum3A_60 = arith.constant true
    %reduce_sum3A_61 = vector.broadcast %reduce_sum3A_60 : i1 to vector<16xi1>
    %reduce_sum3A_62 = tpu.scan <sum>, %select_n3A_59 masked %reduce_sum3A_61 : vector<16xi32>, vector<16xi1> -> vector<16xi32>
    %reduce_sum3A_63 = vector.extract %reduce_sum3A_62[15] : i32 from vector<16xi32>
    %eq3A_64 = arith.constant 3 : i32
    %eq3A_65 = vector.broadcast %eq3A_64 : i32 to vector<16xi32>
    %eq3A_66 = arith.cmpi eq, %iota3A, %eq3A_65 : vector<16xi32>
    %jit3A_67 = arith.constant 0 : i32
    %broadcast_in_dim3A_68 = vector.broadcast %jit3A_67 : i32 to vector<16xi32>
    %select_n3A_69 = arith.select %eq3A_66, %get3A_33, %broadcast_in_dim3A_68 : vector<16xi1>, vector<16xi32>
    %reduce_sum3A_70 = arith.constant true
    %reduce_sum3A_71 = vector.broadcast %reduce_sum3A_70 : i1 to vector<16xi1>
    %reduce_sum3A_72 = tpu.scan <sum>, %select_n3A_69 masked %reduce_sum3A_71 : vector<16xi32>, vector<16xi1> -> vector<16xi32>
    %reduce_sum3A_73 = vector.extract %reduce_sum3A_72[15] : i32 from vector<16xi32>
    %eq3A_74 = arith.constant 4 : i32
    %eq3A_75 = vector.broadcast %eq3A_74 : i32 to vector<16xi32>
    %eq3A_76 = arith.cmpi eq, %iota3A, %eq3A_75 : vector<16xi32>
    %jit3A_77 = arith.constant 0 : i32
    %broadcast_in_dim3A_78 = vector.broadcast %jit3A_77 : i32 to vector<16xi32>
    %select_n3A_79 = arith.select %eq3A_76, %get3A_33, %broadcast_in_dim3A_78 : vector<16xi1>, vector<16xi32>
    %reduce_sum3A_80 = arith.constant true
    %reduce_sum3A_81 = vector.broadcast %reduce_sum3A_80 : i1 to vector<16xi1>
    %reduce_sum3A_82 = tpu.scan <sum>, %select_n3A_79 masked %reduce_sum3A_81 : vector<16xi32>, vector<16xi1> -> vector<16xi32>
    %reduce_sum3A_83 = vector.extract %reduce_sum3A_82[15] : i32 from vector<16xi32>
    %eq3A_84 = arith.constant 5 : i32
    %eq3A_85 = vector.broadcast %eq3A_84 : i32 to vector<16xi32>
    %eq3A_86 = arith.cmpi eq, %iota3A, %eq3A_85 : vector<16xi32>
    %jit3A_87 = arith.constant 0 : i32
    %broadcast_in_dim3A_88 = vector.broadcast %jit3A_87 : i32 to vector<16xi32>
    %select_n3A_89 = arith.select %eq3A_86, %get3A_33, %broadcast_in_dim3A_88 : vector<16xi1>, vector<16xi32>
    %reduce_sum3A_90 = arith.constant true
    %reduce_sum3A_91 = vector.broadcast %reduce_sum3A_90 : i1 to vector<16xi1>
    %reduce_sum3A_92 = tpu.scan <sum>, %select_n3A_89 masked %reduce_sum3A_91 : vector<16xi32>, vector<16xi1> -> vector<16xi32>
    %reduce_sum3A_93 = vector.extract %reduce_sum3A_92[15] : i32 from vector<16xi32>
    %eq3A_94 = arith.constant 6 : i32
    %eq3A_95 = vector.broadcast %eq3A_94 : i32 to vector<16xi32>
    %eq3A_96 = arith.cmpi eq, %iota3A, %eq3A_95 : vector<16xi32>
    %jit3A_97 = arith.constant 0 : i32
    %broadcast_in_dim3A_98 = vector.broadcast %jit3A_97 : i32 to vector<16xi32>
    %select_n3A_99 = arith.select %eq3A_96, %get3A_33, %broadcast_in_dim3A_98 : vector<16xi1>, vector<16xi32>
    %reduce_sum3A_100 = arith.constant true
    %reduce_sum3A_101 = vector.broadcast %reduce_sum3A_100 : i1 to vector<16xi1>
    %reduce_sum3A_102 = tpu.scan <sum>, %select_n3A_99 masked %reduce_sum3A_101 : vector<16xi32>, vector<16xi1> -> vector<16xi32>
    %reduce_sum3A_103 = vector.extract %reduce_sum3A_102[15] : i32 from vector<16xi32>
    %eq3A_104 = arith.constant 7 : i32
    %eq3A_105 = vector.broadcast %eq3A_104 : i32 to vector<16xi32>
    %eq3A_106 = arith.cmpi eq, %iota3A, %eq3A_105 : vector<16xi32>
    %jit3A_107 = arith.constant 0 : i32
    %broadcast_in_dim3A_108 = vector.broadcast %jit3A_107 : i32 to vector<16xi32>
    %select_n3A_109 = arith.select %eq3A_106, %get3A_33, %broadcast_in_dim3A_108 : vector<16xi1>, vector<16xi32>
    %reduce_sum3A_110 = arith.constant true
    %reduce_sum3A_111 = vector.broadcast %reduce_sum3A_110 : i1 to vector<16xi1>
    %reduce_sum3A_112 = tpu.scan <sum>, %select_n3A_109 masked %reduce_sum3A_111 : vector<16xi32>, vector<16xi1> -> vector<16xi32>
    %reduce_sum3A_113 = vector.extract %reduce_sum3A_112[15] : i32 from vector<16xi32>
    %get3A_114 = arith.constant 0 : index
    %get3A_115 = tpu.vector_load %arg11[%get3A_114] {strides = array<i32>} : memref<16xi32, #tpu.memory_space<vmem>>, vector<16xi32>,
    %eq3A_116 = arith.constant 5 : i32
    %eq3A_117 = vector.broadcast %eq3A_116 : i32 to vector<16xi32>
    %eq3A_118 = arith.cmpi eq, %iota3A, %eq3A_117 : vector<16xi32>
    %jit3A_119 = arith.constant 0 : i32
    %broadcast_in_dim3A_120 = vector.broadcast %jit3A_119 : i32 to vector<16xi32>
    %select_n3A_121 = arith.select %eq3A_118, %get3A_115, %broadcast_in_dim3A_120 : vector<16xi1>, vector<16xi32>
    %reduce_sum3A_122 = arith.constant true
    %reduce_sum3A_123 = vector.broadcast %reduce_sum3A_122 : i1 to vector<16xi1>
    %reduce_sum3A_124 = tpu.scan <sum>, %select_n3A_121 masked %reduce_sum3A_123 : vector<16xi32>, vector<16xi1> -> vector<16xi32>
    %reduce_sum3A_125 = vector.extract %reduce_sum3A_124[15] : i32 from vector<16xi32>
    %clamp3A = arith.constant 0 : i32
    %clamp3A_126 = arith.constant 999999 : i32
    %clamp3A_127 = arith.maxsi %reduce_sum3A_43, %clamp3A : i32
    %clamp3A_128 = arith.minsi %clamp3A_127, %clamp3A_126 : i32
    %clamp3A_129 = arith.constant 0 : i32
    %clamp3A_130 = arith.constant 999999 : i32
    %clamp3A_131 = arith.maxsi %reduce_sum3A_53, %clamp3A_129 : i32
    %clamp3A_132 = arith.minsi %clamp3A_131, %clamp3A_130 : i32
    %clamp3A_133 = arith.constant 0 : i32
    %clamp3A_134 = arith.constant 999999 : i32
    %clamp3A_135 = arith.maxsi %reduce_sum3A_63, %clamp3A_133 : i32
    %clamp3A_136 = arith.minsi %clamp3A_135, %clamp3A_134 : i32
    %clamp3A_137 = arith.constant 0 : i32
    %clamp3A_138 = arith.constant 999999 : i32
    %clamp3A_139 = arith.maxsi %reduce_sum3A_73, %clamp3A_137 : i32
    %clamp3A_140 = arith.minsi %clamp3A_139, %clamp3A_138 : i32
    %clamp3A_141 = arith.constant 0 : i32
    %clamp3A_142 = arith.constant 999999 : i32
    %clamp3A_143 = arith.maxsi %reduce_sum3A_83, %clamp3A_141 : i32
    %clamp3A_144 = arith.minsi %clamp3A_143, %clamp3A_142 : i32
    %clamp3A_145 = arith.constant 0 : i32
    %clamp3A_146 = arith.constant 999999 : i32
    %clamp3A_147 = arith.maxsi %reduce_sum3A_93, %clamp3A_145 : i32
    %clamp3A_148 = arith.minsi %clamp3A_147, %clamp3A_146 : i32
    %clamp3A_149 = arith.constant 0 : i32
    %clamp3A_150 = arith.constant 999999 : i32
    %clamp3A_151 = arith.maxsi %reduce_sum3A_103, %clamp3A_149 : i32
    %clamp3A_152 = arith.minsi %clamp3A_151, %clamp3A_150 : i32
    %clamp3A_153 = arith.constant 0 : i32
    %clamp3A_154 = arith.constant 999999 : i32
    %clamp3A_155 = arith.maxsi %reduce_sum3A_113, %clamp3A_153 : i32
    %clamp3A_156 = arith.minsi %clamp3A_155, %clamp3A_154 : i32
    %clamp3A_157 = arith.constant 0 : i32
    %clamp3A_158 = arith.constant 999999 : i32
    %clamp3A_159 = arith.maxsi %reduce_sum3A_31, %clamp3A_157 : i32
    %clamp3A_160 = arith.minsi %clamp3A_159, %clamp3A_158 : i32
    %clamp3A_161 = arith.constant 0 : i32
    %clamp3A_162 = arith.constant 999999 : i32
    %clamp3A_163 = arith.maxsi %reduce_sum3A_31, %clamp3A_161 : i32
    %clamp3A_164 = arith.minsi %clamp3A_163, %clamp3A_162 : i32
    %clamp3A_165 = arith.constant 0 : i32
    %clamp3A_166 = arith.constant 999999 : i32
    %clamp3A_167 = arith.maxsi %reduce_sum3A_125, %clamp3A_165 : i32
    %clamp3A_168 = arith.minsi %clamp3A_167, %clamp3A_166 : i32
    %lt3A = arith.constant 25 : i32
    %lt3A_169 = arith.cmpi slt, %add3A, %lt3A : i32
    %convert_element_type3A = arith.extui %lt3A_169 : i1 to i32
    %cond3A = arith.constant 0 : i32
    %cond3A_170 = arith.cmpi ne, %convert_element_type3A, %cond3A : i32
    scf.if %cond3A_170 {
      %and3A_334 = arith.constant -128 : i32
      %and3A_335 = arith.andi %clamp3A_128, %and3A_334 : i32
      %multiple_of3A = tpu.assume_multiple %and3A_335, 128 : i32
      %dma_start3A_336 = arith.constant 0 : i32
      %dma_start3A_337 = arith.constant 0 : i32
      %dma_start3A_338 = arith.constant 0 : i32
      %dma_start3A_339 = tpu.memref_slice %arg12[%dma_start3A_336, %dma_start3A_337, %dma_start3A_338] : memref<11x16x128xf32, #tpu.memory_space<vmem>> -> memref<1x16x128xf32, #tpu.memory_space<vmem>>
      %dma_start3A_340 = tpu.memref_squeeze %dma_start3A_339 : memref<1x16x128xf32, #tpu.memory_space<vmem>> -> memref<16x128xf32, #tpu.memory_space<vmem>>
      %dma_start3A_341 = arith.constant 0 : i32
      %dma_start3A_342 = tpu.memref_slice %arg2[%dma_start3A_341, %multiple_of3A] : memref<16x1000000xf32, #tpu.memory_space<hbm>> -> memref<16x128xf32, #tpu.memory_space<hbm>>
      %dma_start3A_343 = arith.constant 0 : i32
      %dma_start3A_344 = arith.constant 0 : i32
      %dma_start3A_345 = tpu.memref_slice %arg12[%dma_start3A_336, %dma_start3A_343, %dma_start3A_344] : memref<11x16x128xf32, #tpu.memory_space<vmem>> -> memref<1x16x128xf32, #tpu.memory_space<vmem>>
      %dma_start3A_346 = tpu.memref_squeeze %dma_start3A_345 : memref<1x16x128xf32, #tpu.memory_space<vmem>> -> memref<16x128xf32, #tpu.memory_space<vmem>>
      %dma_start3A_347 = arith.constant 0 : i32
      %dma_start3A_348 = tpu.memref_slice %arg2[%dma_start3A_347, %multiple_of3A] : memref<16x1000000xf32, #tpu.memory_space<hbm>> -> memref<16x128xf32, #tpu.memory_space<hbm>>
      tpu.enqueue_dma source(%dma_start3A_348 : memref<16x128xf32, #tpu.memory_space<hbm>>) target(%dma_start3A_346 : memref<16x128xf32, #tpu.memory_space<vmem>>) target_semaphore(%arg15 : memref<!tpu.dma_semaphore, #tpu.memory_space<semaphore_mem>>)
      %and3A_349 = arith.constant -128 : i32
      %and3A_350 = arith.andi %clamp3A_132, %and3A_349 : i32
      %multiple_of3A_351 = tpu.assume_multiple %and3A_350, 128 : i32
      %dma_start3A_352 = arith.constant 1 : i32
      %dma_start3A_353 = arith.constant 0 : i32
      %dma_start3A_354 = arith.constant 0 : i32
      %dma_start3A_355 = tpu.memref_slice %arg12[%dma_start3A_352, %dma_start3A_353, %dma_start3A_354] : memref<11x16x128xf32, #tpu.memory_space<vmem>> -> memref<1x16x128xf32, #tpu.memory_space<vmem>>
      %dma_start3A_356 = tpu.memref_squeeze %dma_start3A_355 : memref<1x16x128xf32, #tpu.memory_space<vmem>> -> memref<16x128xf32, #tpu.memory_space<vmem>>
      %dma_start3A_357 = arith.constant 0 : i32
      %dma_start3A_358 = tpu.memref_slice %arg2[%dma_start3A_357, %multiple_of3A_351] : memref<16x1000000xf32, #tpu.memory_space<hbm>> -> memref<16x128xf32, #tpu.memory_space<hbm>>
      %dma_start3A_359 = arith.constant 0 : i32
      %dma_start3A_360 = arith.constant 0 : i32
      %dma_start3A_361 = tpu.memref_slice %arg12[%dma_start3A_352, %dma_start3A_359, %dma_start3A_360] : memref<11x16x128xf32, #tpu.memory_space<vmem>> -> memref<1x16x128xf32, #tpu.memory_space<vmem>>
      %dma_start3A_362 = tpu.memref_squeeze %dma_start3A_361 : memref<1x16x128xf32, #tpu.memory_space<vmem>> -> memref<16x128xf32, #tpu.memory_space<vmem>>
      %dma_start3A_363 = arith.constant 0 : i32
      %dma_start3A_364 = tpu.memref_slice %arg2[%dma_start3A_363, %multiple_of3A_351] : memref<16x1000000xf32, #tpu.memory_space<hbm>> -> memref<16x128xf32, #tpu.memory_space<hbm>>
      tpu.enqueue_dma source(%dma_start3A_364 : memref<16x128xf32, #tpu.memory_space<hbm>>) target(%dma_start3A_362 : memref<16x128xf32, #tpu.memory_space<vmem>>) target_semaphore(%arg15 : memref<!tpu.dma_semaphore, #tpu.memory_space<semaphore_mem>>)
      %and3A_365 = arith.constant -128 : i32
      %and3A_366 = arith.andi %clamp3A_136, %and3A_365 : i32
      %multiple_of3A_367 = tpu.assume_multiple %and3A_366, 128 : i32
      %dma_start3A_368 = arith.constant 2 : i32
      %dma_start3A_369 = arith.constant 0 : i32
      %dma_start3A_370 = arith.constant 0 : i32
      %dma_start3A_371 = tpu.memref_slice %arg12[%dma_start3A_368, %dma_start3A_369, %dma_start3A_370] : memref<11x16x128xf32, #tpu.memory_space<vmem>> -> memref<1x16x128xf32, #tpu.memory_space<vmem>>
      %dma_start3A_372 = tpu.memref_squeeze %dma_start3A_371 : memref<1x16x128xf32, #tpu.memory_space<vmem>> -> memref<16x128xf32, #tpu.memory_space<vmem>>
      %dma_start3A_373 = arith.constant 0 : i32
      %dma_start3A_374 = tpu.memref_slice %arg2[%dma_start3A_373, %multiple_of3A_367] : memref<16x1000000xf32, #tpu.memory_space<hbm>> -> memref<16x128xf32, #tpu.memory_space<hbm>>
      %dma_start3A_375 = arith.constant 0 : i32
      %dma_start3A_376 = arith.constant 0 : i32
      %dma_start3A_377 = tpu.memref_slice %arg12[%dma_start3A_368, %dma_start3A_375, %dma_start3A_376] : memref<11x16x128xf32, #tpu.memory_space<vmem>> -> memref<1x16x128xf32, #tpu.memory_space<vmem>>
      %dma_start3A_378 = tpu.memref_squeeze %dma_start3A_377 : memref<1x16x128xf32, #tpu.memory_space<vmem>> -> memref<16x128xf32, #tpu.memory_space<vmem>>
      %dma_start3A_379 = arith.constant 0 : i32
      %dma_start3A_380 = tpu.memref_slice %arg2[%dma_start3A_379, %multiple_of3A_367] : memref<16x1000000xf32, #tpu.memory_space<hbm>> -> memref<16x128xf32, #tpu.memory_space<hbm>>
      tpu.enqueue_dma source(%dma_start3A_380 : memref<16x128xf32, #tpu.memory_space<hbm>>) target(%dma_start3A_378 : memref<16x128xf32, #tpu.memory_space<vmem>>) target_semaphore(%arg15 : memref<!tpu.dma_semaphore, #tpu.memory_space<semaphore_mem>>)
      %and3A_381 = arith.constant -128 : i32
      %and3A_382 = arith.andi %clamp3A_140, %and3A_381 : i32
      %multiple_of3A_383 = tpu.assume_multiple %and3A_382, 128 : i32
      %dma_start3A_384 = arith.constant 3 : i32
      %dma_start3A_385 = arith.constant 0 : i32
      %dma_start3A_386 = arith.constant 0 : i32
      %dma_start3A_387 = tpu.memref_slice %arg12[%dma_start3A_384, %dma_start3A_385, %dma_start3A_386] : memref<11x16x128xf32, #tpu.memory_space<vmem>> -> memref<1x16x128xf32, #tpu.memory_space<vmem>>
      %dma_start3A_388 = tpu.memref_squeeze %dma_start3A_387 : memref<1x16x128xf32, #tpu.memory_space<vmem>> -> memref<16x128xf32, #tpu.memory_space<vmem>>
      %dma_start3A_389 = arith.constant 0 : i32
      %dma_start3A_390 = tpu.memref_slice %arg2[%dma_start3A_389, %multiple_of3A_383] : memref<16x1000000xf32, #tpu.memory_space<hbm>> -> memref<16x128xf32, #tpu.memory_space<hbm>>
      %dma_start3A_391 = arith.constant 0 : i32
      %dma_start3A_392 = arith.constant 0 : i32
      %dma_start3A_393 = tpu.memref_slice %arg12[%dma_start3A_384, %dma_start3A_391, %dma_start3A_392] : memref<11x16x128xf32, #tpu.memory_space<vmem>> -> memref<1x16x128xf32, #tpu.memory_space<vmem>>
      %dma_start3A_394 = tpu.memref_squeeze %dma_start3A_393 : memref<1x16x128xf32, #tpu.memory_space<vmem>> -> memref<16x128xf32, #tpu.memory_space<vmem>>
      %dma_start3A_395 = arith.constant 0 : i32
      %dma_start3A_396 = tpu.memref_slice %arg2[%dma_start3A_395, %multiple_of3A_383] : memref<16x1000000xf32, #tpu.memory_space<hbm>> -> memref<16x128xf32, #tpu.memory_space<hbm>>
      tpu.enqueue_dma source(%dma_start3A_396 : memref<16x128xf32, #tpu.memory_space<hbm>>) target(%dma_start3A_394 : memref<16x128xf32, #tpu.memory_space<vmem>>) target_semaphore(%arg15 : memref<!tpu.dma_semaphore, #tpu.memory_space<semaphore_mem>>)
      %and3A_397 = arith.constant -128 : i32
      %and3A_398 = arith.andi %clamp3A_144, %and3A_397 : i32
      %multiple_of3A_399 = tpu.assume_multiple %and3A_398, 128 : i32
      %dma_start3A_400 = arith.constant 4 : i32
      %dma_start3A_401 = arith.constant 0 : i32
      %dma_start3A_402 = arith.constant 0 : i32
      %dma_start3A_403 = tpu.memref_slice %arg12[%dma_start3A_400, %dma_start3A_401, %dma_start3A_402] : memref<11x16x128xf32, #tpu.memory_space<vmem>> -> memref<1x16x128xf32, #tpu.memory_space<vmem>>
      %dma_start3A_404 = tpu.memref_squeeze %dma_start3A_403 : memref<1x16x128xf32, #tpu.memory_space<vmem>> -> memref<16x128xf32, #tpu.memory_space<vmem>>
      %dma_start3A_405 = arith.constant 0 : i32
      %dma_start3A_406 = tpu.memref_slice %arg2[%dma_start3A_405, %multiple_of3A_399] : memref<16x1000000xf32, #tpu.memory_space<hbm>> -> memref<16x128xf32, #tpu.memory_space<hbm>>
      %dma_start3A_407 = arith.constant 0 : i32
      %dma_start3A_408 = arith.constant 0 : i32
      %dma_start3A_409 = tpu.memref_slice %arg12[%dma_start3A_400, %dma_start3A_407, %dma_start3A_408] : memref<11x16x128xf32, #tpu.memory_space<vmem>> -> memref<1x16x128xf32, #tpu.memory_space<vmem>>
      %dma_start3A_410 = tpu.memref_squeeze %dma_start3A_409 : memref<1x16x128xf32, #tpu.memory_space<vmem>> -> memref<16x128xf32, #tpu.memory_space<vmem>>
      %dma_start3A_411 = arith.constant 0 : i32
      %dma_start3A_412 = tpu.memref_slice %arg2[%dma_start3A_411, %multiple_of3A_399] : memref<16x1000000xf32, #tpu.memory_space<hbm>> -> memref<16x128xf32, #tpu.memory_space<hbm>>
      tpu.enqueue_dma source(%dma_start3A_412 : memref<16x128xf32, #tpu.memory_space<hbm>>) target(%dma_start3A_410 : memref<16x128xf32, #tpu.memory_space<vmem>>) target_semaphore(%arg15 : memref<!tpu.dma_semaphore, #tpu.memory_space<semaphore_mem>>)
      %and3A_413 = arith.constant -128 : i32
      %and3A_414 = arith.andi %clamp3A_148, %and3A_413 : i32
      %multiple_of3A_415 = tpu.assume_multiple %and3A_414, 128 : i32
      %dma_start3A_416 = arith.constant 5 : i32
      %dma_start3A_417 = arith.constant 0 : i32
      %dma_start3A_418 = arith.constant 0 : i32
      %dma_start3A_419 = tpu.memref_slice %arg12[%dma_start3A_416, %dma_start3A_417, %dma_start3A_418] : memref<11x16x128xf32, #tpu.memory_space<vmem>> -> memref<1x16x128xf32, #tpu.memory_space<vmem>>
      %dma_start3A_420 = tpu.memref_squeeze %dma_start3A_419 : memref<1x16x128xf32, #tpu.memory_space<vmem>> -> memref<16x128xf32, #tpu.memory_space<vmem>>
      %dma_start3A_421 = arith.constant 0 : i32
      %dma_start3A_422 = tpu.memref_slice %arg2[%dma_start3A_421, %multiple_of3A_415] : memref<16x1000000xf32, #tpu.memory_space<hbm>> -> memref<16x128xf32, #tpu.memory_space<hbm>>
      %dma_start3A_423 = arith.constant 0 : i32
      %dma_start3A_424 = arith.constant 0 : i32
      %dma_start3A_425 = tpu.memref_slice %arg12[%dma_start3A_416, %dma_start3A_423, %dma_start3A_424] : memref<11x16x128xf32, #tpu.memory_space<vmem>> -> memref<1x16x128xf32, #tpu.memory_space<vmem>>
      %dma_start3A_426 = tpu.memref_squeeze %dma_start3A_425 : memref<1x16x128xf32, #tpu.memory_space<vmem>> -> memref<16x128xf32, #tpu.memory_space<vmem>>
      %dma_start3A_427 = arith.constant 0 : i32
      %dma_start3A_428 = tpu.memref_slice %arg2[%dma_start3A_427, %multiple_of3A_415] : memref<16x1000000xf32, #tpu.memory_space<hbm>> -> memref<16x128xf32, #tpu.memory_space<hbm>>
      tpu.enqueue_dma source(%dma_start3A_428 : memref<16x128xf32, #tpu.memory_space<hbm>>) target(%dma_start3A_426 : memref<16x128xf32, #tpu.memory_space<vmem>>) target_semaphore(%arg15 : memref<!tpu.dma_semaphore, #tpu.memory_space<semaphore_mem>>)
      %and3A_429 = arith.constant -128 : i32
      %and3A_430 = arith.andi %clamp3A_152, %and3A_429 : i32
      %multiple_of3A_431 = tpu.assume_multiple %and3A_430, 128 : i32
      %dma_start3A_432 = arith.constant 6 : i32
      %dma_start3A_433 = arith.constant 0 : i32
      %dma_start3A_434 = arith.constant 0 : i32
      %dma_start3A_435 = tpu.memref_slice %arg12[%dma_start3A_432, %dma_start3A_433, %dma_start3A_434] : memref<11x16x128xf32, #tpu.memory_space<vmem>> -> memref<1x16x128xf32, #tpu.memory_space<vmem>>
      %dma_start3A_436 = tpu.memref_squeeze %dma_start3A_435 : memref<1x16x128xf32, #tpu.memory_space<vmem>> -> memref<16x128xf32, #tpu.memory_space<vmem>>
      %dma_start3A_437 = arith.constant 0 : i32
      %dma_start3A_438 = tpu.memref_slice %arg2[%dma_start3A_437, %multiple_of3A_431] : memref<16x1000000xf32, #tpu.memory_space<hbm>> -> memref<16x128xf32, #tpu.memory_space<hbm>>
      %dma_start3A_439 = arith.constant 0 : i32
      %dma_start3A_440 = arith.constant 0 : i32
      %dma_start3A_441 = tpu.memref_slice %arg12[%dma_start3A_432, %dma_start3A_439, %dma_start3A_440] : memref<11x16x128xf32, #tpu.memory_space<vmem>> -> memref<1x16x128xf32, #tpu.memory_space<vmem>>
      %dma_start3A_442 = tpu.memref_squeeze %dma_start3A_441 : memref<1x16x128xf32, #tpu.memory_space<vmem>> -> memref<16x128xf32, #tpu.memory_space<vmem>>
      %dma_start3A_443 = arith.constant 0 : i32
      %dma_start3A_444 = tpu.memref_slice %arg2[%dma_start3A_443, %multiple_of3A_431] : memref<16x1000000xf32, #tpu.memory_space<hbm>> -> memref<16x128xf32, #tpu.memory_space<hbm>>
      tpu.enqueue_dma source(%dma_start3A_444 : memref<16x128xf32, #tpu.memory_space<hbm>>) target(%dma_start3A_442 : memref<16x128xf32, #tpu.memory_space<vmem>>) target_semaphore(%arg15 : memref<!tpu.dma_semaphore, #tpu.memory_space<semaphore_mem>>)
      %and3A_445 = arith.constant -128 : i32
      %and3A_446 = arith.andi %clamp3A_156, %and3A_445 : i32
      %multiple_of3A_447 = tpu.assume_multiple %and3A_446, 128 : i32
      %dma_start3A_448 = arith.constant 7 : i32
      %dma_start3A_449 = arith.constant 0 : i32
      %dma_start3A_450 = arith.constant 0 : i32
      %dma_start3A_451 = tpu.memref_slice %arg12[%dma_start3A_448, %dma_start3A_449, %dma_start3A_450] : memref<11x16x128xf32, #tpu.memory_space<vmem>> -> memref<1x16x128xf32, #tpu.memory_space<vmem>>
      %dma_start3A_452 = tpu.memref_squeeze %dma_start3A_451 : memref<1x16x128xf32, #tpu.memory_space<vmem>> -> memref<16x128xf32, #tpu.memory_space<vmem>>
      %dma_start3A_453 = arith.constant 0 : i32
      %dma_start3A_454 = tpu.memref_slice %arg2[%dma_start3A_453, %multiple_of3A_447] : memref<16x1000000xf32, #tpu.memory_space<hbm>> -> memref<16x128xf32, #tpu.memory_space<hbm>>
      %dma_start3A_455 = arith.constant 0 : i32
      %dma_start3A_456 = arith.constant 0 : i32
      %dma_start3A_457 = tpu.memref_slice %arg12[%dma_start3A_448, %dma_start3A_455, %dma_start3A_456] : memref<11x16x128xf32, #tpu.memory_space<vmem>> -> memref<1x16x128xf32, #tpu.memory_space<vmem>>
      %dma_start3A_458 = tpu.memref_squeeze %dma_start3A_457 : memref<1x16x128xf32, #tpu.memory_space<vmem>> -> memref<16x128xf32, #tpu.memory_space<vmem>>
      %dma_start3A_459 = arith.constant 0 : i32
      %dma_start3A_460 = tpu.memref_slice %arg2[%dma_start3A_459, %multiple_of3A_447] : memref<16x1000000xf32, #tpu.memory_space<hbm>> -> memref<16x128xf32, #tpu.memory_space<hbm>>
      tpu.enqueue_dma source(%dma_start3A_460 : memref<16x128xf32, #tpu.memory_space<hbm>>) target(%dma_start3A_458 : memref<16x128xf32, #tpu.memory_space<vmem>>) target_semaphore(%arg15 : memref<!tpu.dma_semaphore, #tpu.memory_space<semaphore_mem>>)
      %lt3A_461 = arith.constant 21 : i32
      %lt3A_462 = arith.cmpi slt, %add3A, %lt3A_461 : i32
      %convert_element_type3A_463 = arith.extui %lt3A_462 : i1 to i32
      %cond3A_464 = arith.constant 0 : i32
      %cond3A_465 = arith.cmpi ne, %convert_element_type3A_463, %cond3A_464 : i32
      scf.if %cond3A_465 {
        %and3A_570 = arith.constant -128 : i32
        %and3A_571 = arith.andi %clamp3A_160, %and3A_570 : i32
        %multiple_of3A_572 = tpu.assume_multiple %and3A_571, 128 : i32
        %dma_start3A_573 = arith.constant 8 : i32
        %dma_start3A_574 = arith.constant 0 : i32
        %dma_start3A_575 = arith.constant 0 : i32
        %dma_start3A_576 = tpu.memref_slice %arg12[%dma_start3A_573, %dma_start3A_574, %dma_start3A_575] : memref<11x16x128xf32, #tpu.memory_space<vmem>> -> memref<1x16x128xf32, #tpu.memory_space<vmem>>
        %dma_start3A_577 = tpu.memref_squeeze %dma_start3A_576 : memref<1x16x128xf32, #tpu.memory_space<vmem>> -> memref<16x128xf32, #tpu.memory_space<vmem>>
        %dma_start3A_578 = arith.constant 0 : i32
        %dma_start3A_579 = tpu.memref_slice %arg3[%dma_start3A_578, %multiple_of3A_572] : memref<16x1000000xf32, #tpu.memory_space<hbm>> -> memref<16x128xf32, #tpu.memory_space<hbm>>
        %dma_start3A_580 = arith.constant 0 : i32
        %dma_start3A_581 = arith.constant 0 : i32
        %dma_start3A_582 = tpu.memref_slice %arg12[%dma_start3A_573, %dma_start3A_580, %dma_start3A_581] : memref<11x16x128xf32, #tpu.memory_space<vmem>> -> memref<1x16x128xf32, #tpu.memory_space<vmem>>
        %dma_start3A_583 = tpu.memref_squeeze %dma_start3A_582 : memref<1x16x128xf32, #tpu.memory_space<vmem>> -> memref<16x128xf32, #tpu.memory_space<vmem>>
        %dma_start3A_584 = arith.constant 0 : i32
        %dma_start3A_585 = tpu.memref_slice %arg3[%dma_start3A_584, %multiple_of3A_572] : memref<16x1000000xf32, #tpu.memory_space<hbm>> -> memref<16x128xf32, #tpu.memory_space<hbm>>
        tpu.enqueue_dma source(%dma_start3A_585 : memref<16x128xf32, #tpu.memory_space<hbm>>) target(%dma_start3A_583 : memref<16x128xf32, #tpu.memory_space<vmem>>) target_semaphore(%arg15 : memref<!tpu.dma_semaphore, #tpu.memory_space<semaphore_mem>>)
        %and3A_586 = arith.constant -128 : i32
        %and3A_587 = arith.andi %clamp3A_164, %and3A_586 : i32
        %multiple_of3A_588 = tpu.assume_multiple %and3A_587, 128 : i32
        %dma_start3A_589 = arith.constant 9 : i32
        %dma_start3A_590 = arith.constant 0 : i32
        %dma_start3A_591 = arith.constant 0 : i32
        %dma_start3A_592 = tpu.memref_slice %arg12[%dma_start3A_589, %dma_start3A_590, %dma_start3A_591] : memref<11x16x128xf32, #tpu.memory_space<vmem>> -> memref<1x16x128xf32, #tpu.memory_space<vmem>>
        %dma_start3A_593 = tpu.memref_squeeze %dma_start3A_592 : memref<1x16x128xf32, #tpu.memory_space<vmem>> -> memref<16x128xf32, #tpu.memory_space<vmem>>
        %dma_start3A_594 = arith.constant 0 : i32
        %dma_start3A_595 = tpu.memref_slice %arg4[%dma_start3A_594, %multiple_of3A_588] : memref<16x1000000xf32, #tpu.memory_space<hbm>> -> memref<16x128xf32, #tpu.memory_space<hbm>>
        %dma_start3A_596 = arith.constant 0 : i32
        %dma_start3A_597 = arith.constant 0 : i32
        %dma_start3A_598 = tpu.memref_slice %arg12[%dma_start3A_589, %dma_start3A_596, %dma_start3A_597] : memref<11x16x128xf32, #tpu.memory_space<vmem>> -> memref<1x16x128xf32, #tpu.memory_space<vmem>>
        %dma_start3A_599 = tpu.memref_squeeze %dma_start3A_598 : memref<1x16x128xf32, #tpu.memory_space<vmem>> -> memref<16x128xf32, #tpu.memory_space<vmem>>
        %dma_start3A_600 = arith.constant 0 : i32
        %dma_start3A_601 = tpu.memref_slice %arg4[%dma_start3A_600, %multiple_of3A_588] : memref<16x1000000xf32, #tpu.memory_space<hbm>> -> memref<16x128xf32, #tpu.memory_space<hbm>>
        tpu.enqueue_dma source(%dma_start3A_601 : memref<16x128xf32, #tpu.memory_space<hbm>>) target(%dma_start3A_599 : memref<16x128xf32, #tpu.memory_space<vmem>>) target_semaphore(%arg15 : memref<!tpu.dma_semaphore, #tpu.memory_space<semaphore_mem>>)
        %eq3A_602 = arith.constant 0 : i32
        %eq3A_603 = arith.cmpi eq, %add3A, %eq3A_602 : i32
        %convert_element_type3A_604 = arith.extui %eq3A_603 : i1 to i32
        %cond3A_605 = arith.constant 0 : i32
        %cond3A_606 = arith.cmpi ne, %convert_element_type3A_604, %cond3A_605 : i32
        scf.if %cond3A_606 {
          %and3A_633 = arith.constant -128 : i32
          %and3A_634 = arith.andi %clamp3A_168, %and3A_633 : i32
          %multiple_of3A_635 = tpu.assume_multiple %and3A_634, 128 : i32
          %dma_start3A_636 = arith.constant 10 : i32
          %dma_start3A_637 = arith.constant 0 : i32
          %dma_start3A_638 = arith.constant 0 : i32
          %dma_start3A_639 = tpu.memref_slice %arg12[%dma_start3A_636, %dma_start3A_637, %dma_start3A_638] : memref<11x16x128xf32, #tpu.memory_space<vmem>> -> memref<1x16x128xf32, #tpu.memory_space<vmem>>
          %dma_start3A_640 = tpu.memref_squeeze %dma_start3A_639 : memref<1x16x128xf32, #tpu.memory_space<vmem>> -> memref<16x128xf32, #tpu.memory_space<vmem>>
          %dma_start3A_641 = arith.constant 0 : i32
          %dma_start3A_642 = tpu.memref_slice %arg5[%dma_start3A_641, %multiple_of3A_635] : memref<16x1000000xf32, #tpu.memory_space<hbm>> -> memref<16x128xf32, #tpu.memory_space<hbm>>
          %dma_start3A_643 = arith.constant 0 : i32
          %dma_start3A_644 = arith.constant 0 : i32
          %dma_start3A_645 = tpu.memref_slice %arg12[%dma_start3A_636, %dma_start3A_643, %dma_start3A_644] : memref<11x16x128xf32, #tpu.memory_space<vmem>> -> memref<1x16x128xf32, #tpu.memory_space<vmem>>
          %dma_start3A_646 = tpu.memref_squeeze %dma_start3A_645 : memref<1x16x128xf32, #tpu.memory_space<vmem>> -> memref<16x128xf32, #tpu.memory_space<vmem>>
          %dma_start3A_647 = arith.constant 0 : i32
          %dma_start3A_648 = tpu.memref_slice %arg5[%dma_start3A_647, %multiple_of3A_635] : memref<16x1000000xf32, #tpu.memory_space<hbm>> -> memref<16x128xf32, #tpu.memory_space<hbm>>
          tpu.enqueue_dma source(%dma_start3A_648 : memref<16x128xf32, #tpu.memory_space<hbm>>) target(%dma_start3A_646 : memref<16x128xf32, #tpu.memory_space<vmem>>) target_semaphore(%arg15 : memref<!tpu.dma_semaphore, #tpu.memory_space<semaphore_mem>>)
          %dma_wait3A_649 = arith.constant 10 : i32
          %dma_wait3A_650 = arith.constant 0 : i32
          %dma_wait3A_651 = arith.constant 0 : i32
          %dma_wait3A_652 = tpu.memref_slice %arg12[%dma_wait3A_649, %dma_wait3A_650, %dma_wait3A_651] : memref<11x16x128xf32, #tpu.memory_space<vmem>> -> memref<1x16x128xf32, #tpu.memory_space<vmem>>
          %dma_wait3A_653 = tpu.memref_squeeze %dma_wait3A_652 : memref<1x16x128xf32, #tpu.memory_space<vmem>> -> memref<16x128xf32, #tpu.memory_space<vmem>>
          %dma_wait3A_654 = arith.constant 0 : i32
          %dma_wait3A_655 = tpu.memref_slice %arg5[%dma_wait3A_654, %multiple_of3A_635] : memref<16x1000000xf32, #tpu.memory_space<hbm>> -> memref<16x128xf32, #tpu.memory_space<hbm>>
          %dma_wait3A_656 = arith.constant 0 : i32
          %dma_wait3A_657 = arith.constant 0 : i32
          %dma_wait3A_658 = tpu.memref_slice %arg12[%dma_wait3A_649, %dma_wait3A_656, %dma_wait3A_657] : memref<11x16x128xf32, #tpu.memory_space<vmem>> -> memref<1x16x128xf32, #tpu.memory_space<vmem>>
          %dma_wait3A_659 = tpu.memref_squeeze %dma_wait3A_658 : memref<1x16x128xf32, #tpu.memory_space<vmem>> -> memref<16x128xf32, #tpu.memory_space<vmem>>
          %dma_wait3A_660 = arith.constant 0 : i32
          %dma_wait3A_661 = tpu.memref_slice %arg5[%dma_wait3A_660, %multiple_of3A_635] : memref<16x1000000xf32, #tpu.memory_space<hbm>> -> memref<16x128xf32, #tpu.memory_space<hbm>>
          tpu.wait_dma2 semaphore(%arg15 : memref<!tpu.dma_semaphore, #tpu.memory_space<semaphore_mem>>) src(%dma_wait3A_661 : memref<16x128xf32, #tpu.memory_space<hbm>>) dst(%dma_wait3A_659 : memref<16x128xf32, #tpu.memory_space<vmem>>)
        } else {
        }
        %dma_wait3A_607 = arith.constant 8 : i32
        %dma_wait3A_608 = arith.constant 0 : i32
        %dma_wait3A_609 = arith.constant 0 : i32
        %dma_wait3A_610 = tpu.memref_slice %arg12[%dma_wait3A_607, %dma_wait3A_608, %dma_wait3A_609] : memref<11x16x128xf32, #tpu.memory_space<vmem>> -> memref<1x16x128xf32, #tpu.memory_space<vmem>>
        %dma_wait3A_611 = tpu.memref_squeeze %dma_wait3A_610 : memref<1x16x128xf32, #tpu.memory_space<vmem>> -> memref<16x128xf32, #tpu.memory_space<vmem>>
        %dma_wait3A_612 = arith.constant 0 : i32
        %dma_wait3A_613 = tpu.memref_slice %arg3[%dma_wait3A_612, %multiple_of3A_572] : memref<16x1000000xf32, #tpu.memory_space<hbm>> -> memref<16x128xf32, #tpu.memory_space<hbm>>
        %dma_wait3A_614 = arith.constant 0 : i32
        %dma_wait3A_615 = arith.constant 0 : i32
        %dma_wait3A_616 = tpu.memref_slice %arg12[%dma_wait3A_607, %dma_wait3A_614, %dma_wait3A_615] : memref<11x16x128xf32, #tpu.memory_space<vmem>> -> memref<1x16x128xf32, #tpu.memory_space<vmem>>
        %dma_wait3A_617 = tpu.memref_squeeze %dma_wait3A_616 : memref<1x16x128xf32, #tpu.memory_space<vmem>> -> memref<16x128xf32, #tpu.memory_space<vmem>>
        %dma_wait3A_618 = arith.constant 0 : i32
        %dma_wait3A_619 = tpu.memref_slice %arg3[%dma_wait3A_618, %multiple_of3A_572] : memref<16x1000000xf32, #tpu.memory_space<hbm>> -> memref<16x128xf32, #tpu.memory_space<hbm>>
        tpu.wait_dma2 semaphore(%arg15 : memref<!tpu.dma_semaphore, #tpu.memory_space<semaphore_mem>>) src(%dma_wait3A_619 : memref<16x128xf32, #tpu.memory_space<hbm>>) dst(%dma_wait3A_617 : memref<16x128xf32, #tpu.memory_space<vmem>>)
        %dma_wait3A_620 = arith.constant 9 : i32
        %dma_wait3A_621 = arith.constant 0 : i32
        %dma_wait3A_622 = arith.constant 0 : i32
        %dma_wait3A_623 = tpu.memref_slice %arg12[%dma_wait3A_620, %dma_wait3A_621, %dma_wait3A_622] : memref<11x16x128xf32, #tpu.memory_space<vmem>> -> memref<1x16x128xf32, #tpu.memory_space<vmem>>
        %dma_wait3A_624 = tpu.memref_squeeze %dma_wait3A_623 : memref<1x16x128xf32, #tpu.memory_space<vmem>> -> memref<16x128xf32, #tpu.memory_space<vmem>>
        %dma_wait3A_625 = arith.constant 0 : i32
        %dma_wait3A_626 = tpu.memref_slice %arg4[%dma_wait3A_625, %multiple_of3A_588] : memref<16x1000000xf32, #tpu.memory_space<hbm>> -> memref<16x128xf32, #tpu.memory_space<hbm>>
        %dma_wait3A_627 = arith.constant 0 : i32
        %dma_wait3A_628 = arith.constant 0 : i32
        %dma_wait3A_629 = tpu.memref_slice %arg12[%dma_wait3A_620, %dma_wait3A_627, %dma_wait3A_628] : memref<11x16x128xf32, #tpu.memory_space<vmem>> -> memref<1x16x128xf32, #tpu.memory_space<vmem>>
        %dma_wait3A_630 = tpu.memref_squeeze %dma_wait3A_629 : memref<1x16x128xf32, #tpu.memory_space<vmem>> -> memref<16x128xf32, #tpu.memory_space<vmem>>
        %dma_wait3A_631 = arith.constant 0 : i32
        %dma_wait3A_632 = tpu.memref_slice %arg4[%dma_wait3A_631, %multiple_of3A_588] : memref<16x1000000xf32, #tpu.memory_space<hbm>> -> memref<16x128xf32, #tpu.memory_space<hbm>>
        tpu.wait_dma2 semaphore(%arg15 : memref<!tpu.dma_semaphore, #tpu.memory_space<semaphore_mem>>) src(%dma_wait3A_632 : memref<16x128xf32, #tpu.memory_space<hbm>>) dst(%dma_wait3A_630 : memref<16x128xf32, #tpu.memory_space<vmem>>)
      } else {
      }
      %dma_wait3A_466 = arith.constant 0 : i32
      %dma_wait3A_467 = arith.constant 0 : i32
      %dma_wait3A_468 = arith.constant 0 : i32
      %dma_wait3A_469 = tpu.memref_slice %arg12[%dma_wait3A_466, %dma_wait3A_467, %dma_wait3A_468] : memref<11x16x128xf32, #tpu.memory_space<vmem>> -> memref<1x16x128xf32, #tpu.memory_space<vmem>>
      %dma_wait3A_470 = tpu.memref_squeeze %dma_wait3A_469 : memref<1x16x128xf32, #tpu.memory_space<vmem>> -> memref<16x128xf32, #tpu.memory_space<vmem>>
      %dma_wait3A_471 = arith.constant 0 : i32
      %dma_wait3A_472 = tpu.memref_slice %arg2[%dma_wait3A_471, %multiple_of3A] : memref<16x1000000xf32, #tpu.memory_space<hbm>> -> memref<16x128xf32, #tpu.memory_space<hbm>>
      %dma_wait3A_473 = arith.constant 0 : i32
      %dma_wait3A_474 = arith.constant 0 : i32
      %dma_wait3A_475 = tpu.memref_slice %arg12[%dma_wait3A_466, %dma_wait3A_473, %dma_wait3A_474] : memref<11x16x128xf32, #tpu.memory_space<vmem>> -> memref<1x16x128xf32, #tpu.memory_space<vmem>>
      %dma_wait3A_476 = tpu.memref_squeeze %dma_wait3A_475 : memref<1x16x128xf32, #tpu.memory_space<vmem>> -> memref<16x128xf32, #tpu.memory_space<vmem>>
      %dma_wait3A_477 = arith.constant 0 : i32
      %dma_wait3A_478 = tpu.memref_slice %arg2[%dma_wait3A_477, %multiple_of3A] : memref<16x1000000xf32, #tpu.memory_space<hbm>> -> memref<16x128xf32, #tpu.memory_space<hbm>>
      tpu.wait_dma2 semaphore(%arg15 : memref<!tpu.dma_semaphore, #tpu.memory_space<semaphore_mem>>) src(%dma_wait3A_478 : memref<16x128xf32, #tpu.memory_space<hbm>>) dst(%dma_wait3A_476 : memref<16x128xf32, #tpu.memory_space<vmem>>)
      %dma_wait3A_479 = arith.constant 1 : i32
      %dma_wait3A_480 = arith.constant 0 : i32
      %dma_wait3A_481 = arith.constant 0 : i32
      %dma_wait3A_482 = tpu.memref_slice %arg12[%dma_wait3A_479, %dma_wait3A_480, %dma_wait3A_481] : memref<11x16x128xf32, #tpu.memory_space<vmem>> -> memref<1x16x128xf32, #tpu.memory_space<vmem>>
      %dma_wait3A_483 = tpu.memref_squeeze %dma_wait3A_482 : memref<1x16x128xf32, #tpu.memory_space<vmem>> -> memref<16x128xf32, #tpu.memory_space<vmem>>
      %dma_wait3A_484 = arith.constant 0 : i32
      %dma_wait3A_485 = tpu.memref_slice %arg2[%dma_wait3A_484, %multiple_of3A_351] : memref<16x1000000xf32, #tpu.memory_space<hbm>> -> memref<16x128xf32, #tpu.memory_space<hbm>>
      %dma_wait3A_486 = arith.constant 0 : i32
      %dma_wait3A_487 = arith.constant 0 : i32
      %dma_wait3A_488 = tpu.memref_slice %arg12[%dma_wait3A_479, %dma_wait3A_486, %dma_wait3A_487] : memref<11x16x128xf32, #tpu.memory_space<vmem>> -> memref<1x16x128xf32, #tpu.memory_space<vmem>>
      %dma_wait3A_489 = tpu.memref_squeeze %dma_wait3A_488 : memref<1x16x128xf32, #tpu.memory_space<vmem>> -> memref<16x128xf32, #tpu.memory_space<vmem>>
      %dma_wait3A_490 = arith.constant 0 : i32
      %dma_wait3A_491 = tpu.memref_slice %arg2[%dma_wait3A_490, %multiple_of3A_351] : memref<16x1000000xf32, #tpu.memory_space<hbm>> -> memref<16x128xf32, #tpu.memory_space<hbm>>
      tpu.wait_dma2 semaphore(%arg15 : memref<!tpu.dma_semaphore, #tpu.memory_space<semaphore_mem>>) src(%dma_wait3A_491 : memref<16x128xf32, #tpu.memory_space<hbm>>) dst(%dma_wait3A_489 : memref<16x128xf32, #tpu.memory_space<vmem>>)
      %dma_wait3A_492 = arith.constant 2 : i32
      %dma_wait3A_493 = arith.constant 0 : i32
      %dma_wait3A_494 = arith.constant 0 : i32
      %dma_wait3A_495 = tpu.memref_slice %arg12[%dma_wait3A_492, %dma_wait3A_493, %dma_wait3A_494] : memref<11x16x128xf32, #tpu.memory_space<vmem>> -> memref<1x16x128xf32, #tpu.memory_space<vmem>>
      %dma_wait3A_496 = tpu.memref_squeeze %dma_wait3A_495 : memref<1x16x128xf32, #tpu.memory_space<vmem>> -> memref<16x128xf32, #tpu.memory_space<vmem>>
      %dma_wait3A_497 = arith.constant 0 : i32
      %dma_wait3A_498 = tpu.memref_slice %arg2[%dma_wait3A_497, %multiple_of3A_367] : memref<16x1000000xf32, #tpu.memory_space<hbm>> -> memref<16x128xf32, #tpu.memory_space<hbm>>
      %dma_wait3A_499 = arith.constant 0 : i32
      %dma_wait3A_500 = arith.constant 0 : i32
      %dma_wait3A_501 = tpu.memref_slice %arg12[%dma_wait3A_492, %dma_wait3A_499, %dma_wait3A_500] : memref<11x16x128xf32, #tpu.memory_space<vmem>> -> memref<1x16x128xf32, #tpu.memory_space<vmem>>
      %dma_wait3A_502 = tpu.memref_squeeze %dma_wait3A_501 : memref<1x16x128xf32, #tpu.memory_space<vmem>> -> memref<16x128xf32, #tpu.memory_space<vmem>>
      %dma_wait3A_503 = arith.constant 0 : i32
      %dma_wait3A_504 = tpu.memref_slice %arg2[%dma_wait3A_503, %multiple_of3A_367] : memref<16x1000000xf32, #tpu.memory_space<hbm>> -> memref<16x128xf32, #tpu.memory_space<hbm>>
      tpu.wait_dma2 semaphore(%arg15 : memref<!tpu.dma_semaphore, #tpu.memory_space<semaphore_mem>>) src(%dma_wait3A_504 : memref<16x128xf32, #tpu.memory_space<hbm>>) dst(%dma_wait3A_502 : memref<16x128xf32, #tpu.memory_space<vmem>>)
      %dma_wait3A_505 = arith.constant 3 : i32
      %dma_wait3A_506 = arith.constant 0 : i32
      %dma_wait3A_507 = arith.constant 0 : i32
      %dma_wait3A_508 = tpu.memref_slice %arg12[%dma_wait3A_505, %dma_wait3A_506, %dma_wait3A_507] : memref<11x16x128xf32, #tpu.memory_space<vmem>> -> memref<1x16x128xf32, #tpu.memory_space<vmem>>
      %dma_wait3A_509 = tpu.memref_squeeze %dma_wait3A_508 : memref<1x16x128xf32, #tpu.memory_space<vmem>> -> memref<16x128xf32, #tpu.memory_space<vmem>>
      %dma_wait3A_510 = arith.constant 0 : i32
      %dma_wait3A_511 = tpu.memref_slice %arg2[%dma_wait3A_510, %multiple_of3A_383] : memref<16x1000000xf32, #tpu.memory_space<hbm>> -> memref<16x128xf32, #tpu.memory_space<hbm>>
      %dma_wait3A_512 = arith.constant 0 : i32
      %dma_wait3A_513 = arith.constant 0 : i32
      %dma_wait3A_514 = tpu.memref_slice %arg12[%dma_wait3A_505, %dma_wait3A_512, %dma_wait3A_513] : memref<11x16x128xf32, #tpu.memory_space<vmem>> -> memref<1x16x128xf32, #tpu.memory_space<vmem>>
      %dma_wait3A_515 = tpu.memref_squeeze %dma_wait3A_514 : memref<1x16x128xf32, #tpu.memory_space<vmem>> -> memref<16x128xf32, #tpu.memory_space<vmem>>
      %dma_wait3A_516 = arith.constant 0 : i32
      %dma_wait3A_517 = tpu.memref_slice %arg2[%dma_wait3A_516, %multiple_of3A_383] : memref<16x1000000xf32, #tpu.memory_space<hbm>> -> memref<16x128xf32, #tpu.memory_space<hbm>>
      tpu.wait_dma2 semaphore(%arg15 : memref<!tpu.dma_semaphore, #tpu.memory_space<semaphore_mem>>) src(%dma_wait3A_517 : memref<16x128xf32, #tpu.memory_space<hbm>>) dst(%dma_wait3A_515 : memref<16x128xf32, #tpu.memory_space<vmem>>)
      %dma_wait3A_518 = arith.constant 4 : i32
      %dma_wait3A_519 = arith.constant 0 : i32
      %dma_wait3A_520 = arith.constant 0 : i32
      %dma_wait3A_521 = tpu.memref_slice %arg12[%dma_wait3A_518, %dma_wait3A_519, %dma_wait3A_520] : memref<11x16x128xf32, #tpu.memory_space<vmem>> -> memref<1x16x128xf32, #tpu.memory_space<vmem>>
      %dma_wait3A_522 = tpu.memref_squeeze %dma_wait3A_521 : memref<1x16x128xf32, #tpu.memory_space<vmem>> -> memref<16x128xf32, #tpu.memory_space<vmem>>
      %dma_wait3A_523 = arith.constant 0 : i32
      %dma_wait3A_524 = tpu.memref_slice %arg2[%dma_wait3A_523, %multiple_of3A_399] : memref<16x1000000xf32, #tpu.memory_space<hbm>> -> memref<16x128xf32, #tpu.memory_space<hbm>>
      %dma_wait3A_525 = arith.constant 0 : i32
      %dma_wait3A_526 = arith.constant 0 : i32
      %dma_wait3A_527 = tpu.memref_slice %arg12[%dma_wait3A_518, %dma_wait3A_525, %dma_wait3A_526] : memref<11x16x128xf32, #tpu.memory_space<vmem>> -> memref<1x16x128xf32, #tpu.memory_space<vmem>>
      %dma_wait3A_528 = tpu.memref_squeeze %dma_wait3A_527 : memref<1x16x128xf32, #tpu.memory_space<vmem>> -> memref<16x128xf32, #tpu.memory_space<vmem>>
      %dma_wait3A_529 = arith.constant 0 : i32
      %dma_wait3A_530 = tpu.memref_slice %arg2[%dma_wait3A_529, %multiple_of3A_399] : memref<16x1000000xf32, #tpu.memory_space<hbm>> -> memref<16x128xf32, #tpu.memory_space<hbm>>
      tpu.wait_dma2 semaphore(%arg15 : memref<!tpu.dma_semaphore, #tpu.memory_space<semaphore_mem>>) src(%dma_wait3A_530 : memref<16x128xf32, #tpu.memory_space<hbm>>) dst(%dma_wait3A_528 : memref<16x128xf32, #tpu.memory_space<vmem>>)
      %dma_wait3A_531 = arith.constant 5 : i32
      %dma_wait3A_532 = arith.constant 0 : i32
      %dma_wait3A_533 = arith.constant 0 : i32
      %dma_wait3A_534 = tpu.memref_slice %arg12[%dma_wait3A_531, %dma_wait3A_532, %dma_wait3A_533] : memref<11x16x128xf32, #tpu.memory_space<vmem>> -> memref<1x16x128xf32, #tpu.memory_space<vmem>>
      %dma_wait3A_535 = tpu.memref_squeeze %dma_wait3A_534 : memref<1x16x128xf32, #tpu.memory_space<vmem>> -> memref<16x128xf32, #tpu.memory_space<vmem>>
      %dma_wait3A_536 = arith.constant 0 : i32
      %dma_wait3A_537 = tpu.memref_slice %arg2[%dma_wait3A_536, %multiple_of3A_415] : memref<16x1000000xf32, #tpu.memory_space<hbm>> -> memref<16x128xf32, #tpu.memory_space<hbm>>
      %dma_wait3A_538 = arith.constant 0 : i32
      %dma_wait3A_539 = arith.constant 0 : i32
      %dma_wait3A_540 = tpu.memref_slice %arg12[%dma_wait3A_531, %dma_wait3A_538, %dma_wait3A_539] : memref<11x16x128xf32, #tpu.memory_space<vmem>> -> memref<1x16x128xf32, #tpu.memory_space<vmem>>
      %dma_wait3A_541 = tpu.memref_squeeze %dma_wait3A_540 : memref<1x16x128xf32, #tpu.memory_space<vmem>> -> memref<16x128xf32, #tpu.memory_space<vmem>>
      %dma_wait3A_542 = arith.constant 0 : i32
      %dma_wait3A_543 = tpu.memref_slice %arg2[%dma_wait3A_542, %multiple_of3A_415] : memref<16x1000000xf32, #tpu.memory_space<hbm>> -> memref<16x128xf32, #tpu.memory_space<hbm>>
      tpu.wait_dma2 semaphore(%arg15 : memref<!tpu.dma_semaphore, #tpu.memory_space<semaphore_mem>>) src(%dma_wait3A_543 : memref<16x128xf32, #tpu.memory_space<hbm>>) dst(%dma_wait3A_541 : memref<16x128xf32, #tpu.memory_space<vmem>>)
      %dma_wait3A_544 = arith.constant 6 : i32
      %dma_wait3A_545 = arith.constant 0 : i32
      %dma_wait3A_546 = arith.constant 0 : i32
      %dma_wait3A_547 = tpu.memref_slice %arg12[%dma_wait3A_544, %dma_wait3A_545, %dma_wait3A_546] : memref<11x16x128xf32, #tpu.memory_space<vmem>> -> memref<1x16x128xf32, #tpu.memory_space<vmem>>
      %dma_wait3A_548 = tpu.memref_squeeze %dma_wait3A_547 : memref<1x16x128xf32, #tpu.memory_space<vmem>> -> memref<16x128xf32, #tpu.memory_space<vmem>>
      %dma_wait3A_549 = arith.constant 0 : i32
      %dma_wait3A_550 = tpu.memref_slice %arg2[%dma_wait3A_549, %multiple_of3A_431] : memref<16x1000000xf32, #tpu.memory_space<hbm>> -> memref<16x128xf32, #tpu.memory_space<hbm>>
      %dma_wait3A_551 = arith.constant 0 : i32
      %dma_wait3A_552 = arith.constant 0 : i32
      %dma_wait3A_553 = tpu.memref_slice %arg12[%dma_wait3A_544, %dma_wait3A_551, %dma_wait3A_552] : memref<11x16x128xf32, #tpu.memory_space<vmem>> -> memref<1x16x128xf32, #tpu.memory_space<vmem>>
      %dma_wait3A_554 = tpu.memref_squeeze %dma_wait3A_553 : memref<1x16x128xf32, #tpu.memory_space<vmem>> -> memref<16x128xf32, #tpu.memory_space<vmem>>
      %dma_wait3A_555 = arith.constant 0 : i32
      %dma_wait3A_556 = tpu.memref_slice %arg2[%dma_wait3A_555, %multiple_of3A_431] : memref<16x1000000xf32, #tpu.memory_space<hbm>> -> memref<16x128xf32, #tpu.memory_space<hbm>>
      tpu.wait_dma2 semaphore(%arg15 : memref<!tpu.dma_semaphore, #tpu.memory_space<semaphore_mem>>) src(%dma_wait3A_556 : memref<16x128xf32, #tpu.memory_space<hbm>>) dst(%dma_wait3A_554 : memref<16x128xf32, #tpu.memory_space<vmem>>)
      %dma_wait3A_557 = arith.constant 7 : i32
      %dma_wait3A_558 = arith.constant 0 : i32
      %dma_wait3A_559 = arith.constant 0 : i32
      %dma_wait3A_560 = tpu.memref_slice %arg12[%dma_wait3A_557, %dma_wait3A_558, %dma_wait3A_559] : memref<11x16x128xf32, #tpu.memory_space<vmem>> -> memref<1x16x128xf32, #tpu.memory_space<vmem>>
      %dma_wait3A_561 = tpu.memref_squeeze %dma_wait3A_560 : memref<1x16x128xf32, #tpu.memory_space<vmem>> -> memref<16x128xf32, #tpu.memory_space<vmem>>
      %dma_wait3A_562 = arith.constant 0 : i32
      %dma_wait3A_563 = tpu.memref_slice %arg2[%dma_wait3A_562, %multiple_of3A_447] : memref<16x1000000xf32, #tpu.memory_space<hbm>> -> memref<16x128xf32, #tpu.memory_space<hbm>>
      %dma_wait3A_564 = arith.constant 0 : i32
      %dma_wait3A_565 = arith.constant 0 : i32
      %dma_wait3A_566 = tpu.memref_slice %arg12[%dma_wait3A_557, %dma_wait3A_564, %dma_wait3A_565] : memref<11x16x128xf32, #tpu.memory_space<vmem>> -> memref<1x16x128xf32, #tpu.memory_space<vmem>>
      %dma_wait3A_567 = tpu.memref_squeeze %dma_wait3A_566 : memref<1x16x128xf32, #tpu.memory_space<vmem>> -> memref<16x128xf32, #tpu.memory_space<vmem>>
      %dma_wait3A_568 = arith.constant 0 : i32
      %dma_wait3A_569 = tpu.memref_slice %arg2[%dma_wait3A_568, %multiple_of3A_447] : memref<16x1000000xf32, #tpu.memory_space<hbm>> -> memref<16x128xf32, #tpu.memory_space<hbm>>
      tpu.wait_dma2 semaphore(%arg15 : memref<!tpu.dma_semaphore, #tpu.memory_space<semaphore_mem>>) src(%dma_wait3A_569 : memref<16x128xf32, #tpu.memory_space<hbm>>) dst(%dma_wait3A_567 : memref<16x128xf32, #tpu.memory_space<vmem>>)
    } else {
    }
    %and3A_171 = arith.constant 127 : i32
    %and3A_172 = arith.andi %clamp3A_128, %and3A_171 : i32
    %broadcast_in_dim3A_173 = vector.broadcast %and3A_172 : i32 to vector<16xi32>
    %gather3A = arith.constant 0 : i32
    %gather3A_174 = arith.constant 0 : i32
    %gather3A_175 = arith.constant 0 : i32
    %gather3A_176 = tpu.memref_slice %arg12[%gather3A, %gather3A_174, %gather3A_175] : memref<11x16x128xf32, #tpu.memory_space<vmem>> -> memref<1x16x128xf32, #tpu.memory_space<vmem>>
    %gather3A_177 = tpu.memref_squeeze %gather3A_176 : memref<1x16x128xf32, #tpu.memory_space<vmem>> -> memref<16x128xf32, #tpu.memory_space<vmem>>
    %gather3A_178 = tpu.vector_load_idx %gather3A_177[%iota3A, %broadcast_in_dim3A_173] : memref<16x128xf32, #tpu.memory_space<vmem>>[vector<16xi32>, vector<16xi32>], vector<16xf32>,
    %swap3A = arith.constant 0 : i32
    %swap3A_179 = arith.constant 0 : i32
    %swap3A_180 = arith.index_cast %swap3A : i32 to index
    %swap3A_181 = arith.index_cast %swap3A_179 : i32 to index
    %swap3A_182 = arith.constant 0 : index
    %swap3A_183 = tpu.vector_load %arg13[%swap3A_180, %swap3A_181, %swap3A_182] {strides = array<i32>} : memref<1x11x16xf32, #tpu.memory_space<vmem>>, vector<16xf32>,
    tpu.vector_store %arg13[%swap3A_180, %swap3A_181, %swap3A_182], %gather3A_178 {strides = array<i32>} : memref<1x11x16xf32, #tpu.memory_space<vmem>>, vector<16xf32>,
    %and3A_184 = arith.constant 127 : i32
    %and3A_185 = arith.andi %clamp3A_132, %and3A_184 : i32
    %broadcast_in_dim3A_186 = vector.broadcast %and3A_185 : i32 to vector<16xi32>
    %gather3A_187 = arith.constant 1 : i32
    %gather3A_188 = arith.constant 0 : i32
    %gather3A_189 = arith.constant 0 : i32
    %gather3A_190 = tpu.memref_slice %arg12[%gather3A_187, %gather3A_188, %gather3A_189] : memref<11x16x128xf32, #tpu.memory_space<vmem>> -> memref<1x16x128xf32, #tpu.memory_space<vmem>>
    %gather3A_191 = tpu.memref_squeeze %gather3A_190 : memref<1x16x128xf32, #tpu.memory_space<vmem>> -> memref<16x128xf32, #tpu.memory_space<vmem>>
    %gather3A_192 = tpu.vector_load_idx %gather3A_191[%iota3A, %broadcast_in_dim3A_186] : memref<16x128xf32, #tpu.memory_space<vmem>>[vector<16xi32>, vector<16xi32>], vector<16xf32>,
    %swap3A_193 = arith.constant 0 : i32
    %swap3A_194 = arith.constant 1 : i32
    %swap3A_195 = arith.index_cast %swap3A_193 : i32 to index
    %swap3A_196 = arith.index_cast %swap3A_194 : i32 to index
    %swap3A_197 = arith.constant 0 : index
    %swap3A_198 = tpu.vector_load %arg13[%swap3A_195, %swap3A_196, %swap3A_197] {strides = array<i32>} : memref<1x11x16xf32, #tpu.memory_space<vmem>>, vector<16xf32>,
    tpu.vector_store %arg13[%swap3A_195, %swap3A_196, %swap3A_197], %gather3A_192 {strides = array<i32>} : memref<1x11x16xf32, #tpu.memory_space<vmem>>, vector<16xf32>,
    %and3A_199 = arith.constant 127 : i32
    %and3A_200 = arith.andi %clamp3A_136, %and3A_199 : i32
    %broadcast_in_dim3A_201 = vector.broadcast %and3A_200 : i32 to vector<16xi32>
    %gather3A_202 = arith.constant 2 : i32
    %gather3A_203 = arith.constant 0 : i32
    %gather3A_204 = arith.constant 0 : i32
    %gather3A_205 = tpu.memref_slice %arg12[%gather3A_202, %gather3A_203, %gather3A_204] : memref<11x16x128xf32, #tpu.memory_space<vmem>> -> memref<1x16x128xf32, #tpu.memory_space<vmem>>
    %gather3A_206 = tpu.memref_squeeze %gather3A_205 : memref<1x16x128xf32, #tpu.memory_space<vmem>> -> memref<16x128xf32, #tpu.memory_space<vmem>>
    %gather3A_207 = tpu.vector_load_idx %gather3A_206[%iota3A, %broadcast_in_dim3A_201] : memref<16x128xf32, #tpu.memory_space<vmem>>[vector<16xi32>, vector<16xi32>], vector<16xf32>,
    %swap3A_208 = arith.constant 0 : i32
    %swap3A_209 = arith.constant 2 : i32
    %swap3A_210 = arith.index_cast %swap3A_208 : i32 to index
    %swap3A_211 = arith.index_cast %swap3A_209 : i32 to index
    %swap3A_212 = arith.constant 0 : index
    %swap3A_213 = tpu.vector_load %arg13[%swap3A_210, %swap3A_211, %swap3A_212] {strides = array<i32>} : memref<1x11x16xf32, #tpu.memory_space<vmem>>, vector<16xf32>,
    tpu.vector_store %arg13[%swap3A_210, %swap3A_211, %swap3A_212], %gather3A_207 {strides = array<i32>} : memref<1x11x16xf32, #tpu.memory_space<vmem>>, vector<16xf32>,
    %and3A_214 = arith.constant 127 : i32
    %and3A_215 = arith.andi %clamp3A_140, %and3A_214 : i32
    %broadcast_in_dim3A_216 = vector.broadcast %and3A_215 : i32 to vector<16xi32>
    %gather3A_217 = arith.constant 3 : i32
    %gather3A_218 = arith.constant 0 : i32
    %gather3A_219 = arith.constant 0 : i32
    %gather3A_220 = tpu.memref_slice %arg12[%gather3A_217, %gather3A_218, %gather3A_219] : memref<11x16x128xf32, #tpu.memory_space<vmem>> -> memref<1x16x128xf32, #tpu.memory_space<vmem>>
    %gather3A_221 = tpu.memref_squeeze %gather3A_220 : memref<1x16x128xf32, #tpu.memory_space<vmem>> -> memref<16x128xf32, #tpu.memory_space<vmem>>
    %gather3A_222 = tpu.vector_load_idx %gather3A_221[%iota3A, %broadcast_in_dim3A_216] : memref<16x128xf32, #tpu.memory_space<vmem>>[vector<16xi32>, vector<16xi32>], vector<16xf32>,
    %swap3A_223 = arith.constant 0 : i32
    %swap3A_224 = arith.constant 3 : i32
    %swap3A_225 = arith.index_cast %swap3A_223 : i32 to index
    %swap3A_226 = arith.index_cast %swap3A_224 : i32 to index
    %swap3A_227 = arith.constant 0 : index
    %swap3A_228 = tpu.vector_load %arg13[%swap3A_225, %swap3A_226, %swap3A_227] {strides = array<i32>} : memref<1x11x16xf32, #tpu.memory_space<vmem>>, vector<16xf32>,
    tpu.vector_store %arg13[%swap3A_225, %swap3A_226, %swap3A_227], %gather3A_222 {strides = array<i32>} : memref<1x11x16xf32, #tpu.memory_space<vmem>>, vector<16xf32>,
    %and3A_229 = arith.constant 127 : i32
    %and3A_230 = arith.andi %clamp3A_144, %and3A_229 : i32
    %broadcast_in_dim3A_231 = vector.broadcast %and3A_230 : i32 to vector<16xi32>
    %gather3A_232 = arith.constant 4 : i32
    %gather3A_233 = arith.constant 0 : i32
    %gather3A_234 = arith.constant 0 : i32
    %gather3A_235 = tpu.memref_slice %arg12[%gather3A_232, %gather3A_233, %gather3A_234] : memref<11x16x128xf32, #tpu.memory_space<vmem>> -> memref<1x16x128xf32, #tpu.memory_space<vmem>>
    %gather3A_236 = tpu.memref_squeeze %gather3A_235 : memref<1x16x128xf32, #tpu.memory_space<vmem>> -> memref<16x128xf32, #tpu.memory_space<vmem>>
    %gather3A_237 = tpu.vector_load_idx %gather3A_236[%iota3A, %broadcast_in_dim3A_231] : memref<16x128xf32, #tpu.memory_space<vmem>>[vector<16xi32>, vector<16xi32>], vector<16xf32>,
    %swap3A_238 = arith.constant 0 : i32
    %swap3A_239 = arith.constant 4 : i32
    %swap3A_240 = arith.index_cast %swap3A_238 : i32 to index
    %swap3A_241 = arith.index_cast %swap3A_239 : i32 to index
    %swap3A_242 = arith.constant 0 : index
    %swap3A_243 = tpu.vector_load %arg13[%swap3A_240, %swap3A_241, %swap3A_242] {strides = array<i32>} : memref<1x11x16xf32, #tpu.memory_space<vmem>>, vector<16xf32>,
    tpu.vector_store %arg13[%swap3A_240, %swap3A_241, %swap3A_242], %gather3A_237 {strides = array<i32>} : memref<1x11x16xf32, #tpu.memory_space<vmem>>, vector<16xf32>,
    %and3A_244 = arith.constant 127 : i32
    %and3A_245 = arith.andi %clamp3A_148, %and3A_244 : i32
    %broadcast_in_dim3A_246 = vector.broadcast %and3A_245 : i32 to vector<16xi32>
    %gather3A_247 = arith.constant 5 : i32
    %gather3A_248 = arith.constant 0 : i32
    %gather3A_249 = arith.constant 0 : i32
    %gather3A_250 = tpu.memref_slice %arg12[%gather3A_247, %gather3A_248, %gather3A_249] : memref<11x16x128xf32, #tpu.memory_space<vmem>> -> memref<1x16x128xf32, #tpu.memory_space<vmem>>
    %gather3A_251 = tpu.memref_squeeze %gather3A_250 : memref<1x16x128xf32, #tpu.memory_space<vmem>> -> memref<16x128xf32, #tpu.memory_space<vmem>>
    %gather3A_252 = tpu.vector_load_idx %gather3A_251[%iota3A, %broadcast_in_dim3A_246] : memref<16x128xf32, #tpu.memory_space<vmem>>[vector<16xi32>, vector<16xi32>], vector<16xf32>,
    %swap3A_253 = arith.constant 0 : i32
    %swap3A_254 = arith.constant 5 : i32
    %swap3A_255 = arith.index_cast %swap3A_253 : i32 to index
    %swap3A_256 = arith.index_cast %swap3A_254 : i32 to index
    %swap3A_257 = arith.constant 0 : index
    %swap3A_258 = tpu.vector_load %arg13[%swap3A_255, %swap3A_256, %swap3A_257] {strides = array<i32>} : memref<1x11x16xf32, #tpu.memory_space<vmem>>, vector<16xf32>,
    tpu.vector_store %arg13[%swap3A_255, %swap3A_256, %swap3A_257], %gather3A_252 {strides = array<i32>} : memref<1x11x16xf32, #tpu.memory_space<vmem>>, vector<16xf32>,
    %and3A_259 = arith.constant 127 : i32
    %and3A_260 = arith.andi %clamp3A_152, %and3A_259 : i32
    %broadcast_in_dim3A_261 = vector.broadcast %and3A_260 : i32 to vector<16xi32>
    %gather3A_262 = arith.constant 6 : i32
    %gather3A_263 = arith.constant 0 : i32
    %gather3A_264 = arith.constant 0 : i32
    %gather3A_265 = tpu.memref_slice %arg12[%gather3A_262, %gather3A_263, %gather3A_264] : memref<11x16x128xf32, #tpu.memory_space<vmem>> -> memref<1x16x128xf32, #tpu.memory_space<vmem>>
    %gather3A_266 = tpu.memref_squeeze %gather3A_265 : memref<1x16x128xf32, #tpu.memory_space<vmem>> -> memref<16x128xf32, #tpu.memory_space<vmem>>
    %gather3A_267 = tpu.vector_load_idx %gather3A_266[%iota3A, %broadcast_in_dim3A_261] : memref<16x128xf32, #tpu.memory_space<vmem>>[vector<16xi32>, vector<16xi32>], vector<16xf32>,
    %swap3A_268 = arith.constant 0 : i32
    %swap3A_269 = arith.constant 6 : i32
    %swap3A_270 = arith.index_cast %swap3A_268 : i32 to index
    %swap3A_271 = arith.index_cast %swap3A_269 : i32 to index
    %swap3A_272 = arith.constant 0 : index
    %swap3A_273 = tpu.vector_load %arg13[%swap3A_270, %swap3A_271, %swap3A_272] {strides = array<i32>} : memref<1x11x16xf32, #tpu.memory_space<vmem>>, vector<16xf32>,
    tpu.vector_store %arg13[%swap3A_270, %swap3A_271, %swap3A_272], %gather3A_267 {strides = array<i32>} : memref<1x11x16xf32, #tpu.memory_space<vmem>>, vector<16xf32>,
    %and3A_274 = arith.constant 127 : i32
    %and3A_275 = arith.andi %clamp3A_156, %and3A_274 : i32
    %broadcast_in_dim3A_276 = vector.broadcast %and3A_275 : i32 to vector<16xi32>
    %gather3A_277 = arith.constant 7 : i32
    %gather3A_278 = arith.constant 0 : i32
    %gather3A_279 = arith.constant 0 : i32
    %gather3A_280 = tpu.memref_slice %arg12[%gather3A_277, %gather3A_278, %gather3A_279] : memref<11x16x128xf32, #tpu.memory_space<vmem>> -> memref<1x16x128xf32, #tpu.memory_space<vmem>>
    %gather3A_281 = tpu.memref_squeeze %gather3A_280 : memref<1x16x128xf32, #tpu.memory_space<vmem>> -> memref<16x128xf32, #tpu.memory_space<vmem>>
    %gather3A_282 = tpu.vector_load_idx %gather3A_281[%iota3A, %broadcast_in_dim3A_276] : memref<16x128xf32, #tpu.memory_space<vmem>>[vector<16xi32>, vector<16xi32>], vector<16xf32>,
    %swap3A_283 = arith.constant 0 : i32
    %swap3A_284 = arith.constant 7 : i32
    %swap3A_285 = arith.index_cast %swap3A_283 : i32 to index
    %swap3A_286 = arith.index_cast %swap3A_284 : i32 to index
    %swap3A_287 = arith.constant 0 : index
    %swap3A_288 = tpu.vector_load %arg13[%swap3A_285, %swap3A_286, %swap3A_287] {strides = array<i32>} : memref<1x11x16xf32, #tpu.memory_space<vmem>>, vector<16xf32>,
    tpu.vector_store %arg13[%swap3A_285, %swap3A_286, %swap3A_287], %gather3A_282 {strides = array<i32>} : memref<1x11x16xf32, #tpu.memory_space<vmem>>, vector<16xf32>,
    %and3A_289 = arith.constant 127 : i32
    %and3A_290 = arith.andi %clamp3A_160, %and3A_289 : i32
    %broadcast_in_dim3A_291 = vector.broadcast %and3A_290 : i32 to vector<16xi32>
    %gather3A_292 = arith.constant 8 : i32
    %gather3A_293 = arith.constant 0 : i32
    %gather3A_294 = arith.constant 0 : i32
    %gather3A_295 = tpu.memref_slice %arg12[%gather3A_292, %gather3A_293, %gather3A_294] : memref<11x16x128xf32, #tpu.memory_space<vmem>> -> memref<1x16x128xf32, #tpu.memory_space<vmem>>
    %gather3A_296 = tpu.memref_squeeze %gather3A_295 : memref<1x16x128xf32, #tpu.memory_space<vmem>> -> memref<16x128xf32, #tpu.memory_space<vmem>>
    %gather3A_297 = tpu.vector_load_idx %gather3A_296[%iota3A, %broadcast_in_dim3A_291] : memref<16x128xf32, #tpu.memory_space<vmem>>[vector<16xi32>, vector<16xi32>], vector<16xf32>,
    %swap3A_298 = arith.constant 0 : i32
    %swap3A_299 = arith.constant 8 : i32
    %swap3A_300 = arith.index_cast %swap3A_298 : i32 to index
    %swap3A_301 = arith.index_cast %swap3A_299 : i32 to index
    %swap3A_302 = arith.constant 0 : index
    %swap3A_303 = tpu.vector_load %arg13[%swap3A_300, %swap3A_301, %swap3A_302] {strides = array<i32>} : memref<1x11x16xf32, #tpu.memory_space<vmem>>, vector<16xf32>,
    tpu.vector_store %arg13[%swap3A_300, %swap3A_301, %swap3A_302], %gather3A_297 {strides = array<i32>} : memref<1x11x16xf32, #tpu.memory_space<vmem>>, vector<16xf32>,
    %and3A_304 = arith.constant 127 : i32
    %and3A_305 = arith.andi %clamp3A_164, %and3A_304 : i32
    %broadcast_in_dim3A_306 = vector.broadcast %and3A_305 : i32 to vector<16xi32>
    %gather3A_307 = arith.constant 9 : i32
    %gather3A_308 = arith.constant 0 : i32
    %gather3A_309 = arith.constant 0 : i32
    %gather3A_310 = tpu.memref_slice %arg12[%gather3A_307, %gather3A_308, %gather3A_309] : memref<11x16x128xf32, #tpu.memory_space<vmem>> -> memref<1x16x128xf32, #tpu.memory_space<vmem>>
    %gather3A_311 = tpu.memref_squeeze %gather3A_310 : memref<1x16x128xf32, #tpu.memory_space<vmem>> -> memref<16x128xf32, #tpu.memory_space<vmem>>
    %gather3A_312 = tpu.vector_load_idx %gather3A_311[%iota3A, %broadcast_in_dim3A_306] : memref<16x128xf32, #tpu.memory_space<vmem>>[vector<16xi32>, vector<16xi32>], vector<16xf32>,
    %swap3A_313 = arith.constant 0 : i32
    %swap3A_314 = arith.constant 9 : i32
    %swap3A_315 = arith.index_cast %swap3A_313 : i32 to index
    %swap3A_316 = arith.index_cast %swap3A_314 : i32 to index
    %swap3A_317 = arith.constant 0 : index
    %swap3A_318 = tpu.vector_load %arg13[%swap3A_315, %swap3A_316, %swap3A_317] {strides = array<i32>} : memref<1x11x16xf32, #tpu.memory_space<vmem>>, vector<16xf32>,
    tpu.vector_store %arg13[%swap3A_315, %swap3A_316, %swap3A_317], %gather3A_312 {strides = array<i32>} : memref<1x11x16xf32, #tpu.memory_space<vmem>>, vector<16xf32>,
    %and3A_319 = arith.constant 127 : i32
    %and3A_320 = arith.andi %clamp3A_168, %and3A_319 : i32
    %broadcast_in_dim3A_321 = vector.broadcast %and3A_320 : i32 to vector<16xi32>
    %gather3A_322 = arith.constant 10 : i32
    %gather3A_323 = arith.constant 0 : i32
    %gather3A_324 = arith.constant 0 : i32
    %gather3A_325 = tpu.memref_slice %arg12[%gather3A_322, %gather3A_323, %gather3A_324] : memref<11x16x128xf32, #tpu.memory_space<vmem>> -> memref<1x16x128xf32, #tpu.memory_space<vmem>>
    %gather3A_326 = tpu.memref_squeeze %gather3A_325 : memref<1x16x128xf32, #tpu.memory_space<vmem>> -> memref<16x128xf32, #tpu.memory_space<vmem>>
    %gather3A_327 = tpu.vector_load_idx %gather3A_326[%iota3A, %broadcast_in_dim3A_321] : memref<16x128xf32, #tpu.memory_space<vmem>>[vector<16xi32>, vector<16xi32>], vector<16xf32>,
    %swap3A_328 = arith.constant 0 : i32
    %swap3A_329 = arith.constant 10 : i32
    %swap3A_330 = arith.index_cast %swap3A_328 : i32 to index
    %swap3A_331 = arith.index_cast %swap3A_329 : i32 to index
    %swap3A_332 = arith.constant 0 : index
    %swap3A_333 = tpu.vector_load %arg13[%swap3A_330, %swap3A_331, %swap3A_332] {strides = array<i32>} : memref<1x11x16xf32, #tpu.memory_space<vmem>>, vector<16xf32>,
    tpu.vector_store %arg13[%swap3A_330, %swap3A_331, %swap3A_332], %gather3A_327 {strides = array<i32>} : memref<1x11x16xf32, #tpu.memory_space<vmem>>, vector<16xf32>,
    "tpu.region"() ({
      %run_scoped3A = tpu.sem_alloc : memref<!tpu.dma_semaphore, #tpu.memory_space<semaphore_mem>>
      %dma_start3A_334 = arith.constant 0 : i32
      %dma_start3A_335 = arith.constant 0 : i32
      %dma_start3A_336 = tpu.memref_slice %arg8[%add3A, %dma_start3A_334, %dma_start3A_335] : memref<32x11x16xf32, #tpu.memory_space<hbm>> -> memref<1x11x16xf32, #tpu.memory_space<hbm>>
      %dma_start3A_337 = arith.constant 0 : i32
      %dma_start3A_338 = arith.constant 0 : i32
      %dma_start3A_339 = tpu.memref_slice %arg8[%add3A, %dma_start3A_337, %dma_start3A_338] : memref<32x11x16xf32, #tpu.memory_space<hbm>> -> memref<1x11x16xf32, #tpu.memory_space<hbm>>
      tpu.enqueue_dma source(%arg13 : memref<1x11x16xf32, #tpu.memory_space<vmem>>) target(%dma_start3A_339 : memref<1x11x16xf32, #tpu.memory_space<hbm>>) target_semaphore(%run_scoped3A : memref<!tpu.dma_semaphore, #tpu.memory_space<semaphore_mem>>)
      %dma_wait3A_340 = arith.constant 0 : i32
      %dma_wait3A_341 = arith.constant 0 : i32
      %dma_wait3A_342 = tpu.memref_slice %arg8[%add3A, %dma_wait3A_340, %dma_wait3A_341] : memref<32x11x16xf32, #tpu.memory_space<hbm>> -> memref<1x11x16xf32, #tpu.memory_space<hbm>>
      %dma_wait3A_343 = arith.constant 0 : i32
      %dma_wait3A_344 = arith.constant 0 : i32
      %dma_wait3A_345 = tpu.memref_slice %arg8[%add3A, %dma_wait3A_343, %dma_wait3A_344] : memref<32x11x16xf32, #tpu.memory_space<hbm>> -> memref<1x11x16xf32, #tpu.memory_space<hbm>>
      tpu.wait_dma2 semaphore(%run_scoped3A : memref<!tpu.dma_semaphore, #tpu.memory_space<semaphore_mem>>) src(%arg13 : memref<1x11x16xf32, #tpu.memory_space<vmem>>) dst(%dma_wait3A_345 : memref<1x11x16xf32, #tpu.memory_space<hbm>>)
      tpu.yield
    }) : () -> ()
    return
  }
}

module attributes {stable_mosaic.version = 14 : i64} {
  func.func @_tc_body(%arg0: memref<1xf32, #tpu.memory_space<smem>>, %arg1: memref<1xf32, #tpu.memory_space<smem>>, %arg2: memref<1xi32, #tpu.memory_space<smem>>, %arg3: memref<1x200xf32, #tpu.memory_space<vmem>>, %arg4: memref<20x200xf32, #tpu.memory_space<vmem>>, %arg5: memref<32x11x16xf32, #tpu.memory_space<vmem>>, %arg6: memref<1x1xf32, #tpu.memory_space<vmem>>) attributes {dimension_semantics = [], scalar_prefetch = 0 : i64, scratch_operands = 0 : i64, tpu.core_type = #tpu.core_type<tc>} {
    %get3A = arith.constant 0 : index
    %get3A_0 = memref.load %arg0[%get3A] : memref<1xf32, #tpu.memory_space<smem>>
    %get3A_1 = arith.constant 0 : index
    %get3A_2 = memref.load %arg1[%get3A_1] : memref<1xf32, #tpu.memory_space<smem>>
    %get3A_3 = arith.constant 0 : index
    %get3A_4 = memref.load %arg2[%get3A_3] : memref<1xi32, #tpu.memory_space<smem>>
    %convert_element_type3A = arith.sitofp %get3A_4 : i32 to f32
    %get3A_5 = arith.constant 0 : index
    %get3A_6 = arith.constant 0 : index
    %get3A_7 = arith.constant 0 : index
    %get3A_8 = vector.load %arg5[%get3A_5, %get3A_6, %get3A_7] : memref<32x11x16xf32, #tpu.memory_space<vmem>>, vector<32x8x16xf32>
    %reshape3A = vector.shape_cast %get3A_8 : vector<32x8x16xf32> to vector<256x16xf32>
    %slice3A = vector.extract_strided_slice %reshape3A {offsets = [0, 0], sizes = [200, 16], strides = [1, 1]} : vector<256x16xf32> to vector<200x16xf32>
    %get3A_9 = arith.constant 0 : index
    %get3A_10 = arith.constant 8 : index
    %get3A_11 = arith.constant 0 : index
    %get3A_12 = vector.load %arg5[%get3A_9, %get3A_10, %get3A_11] : memref<32x11x16xf32, #tpu.memory_space<vmem>>, vector<32x1x16xf32>
    %reshape3A_13 = vector.shape_cast %get3A_12 : vector<32x1x16xf32> to vector<32x16xf32>
    %get3A_14 = arith.constant 0 : index
    %get3A_15 = arith.constant 9 : index
    %get3A_16 = arith.constant 0 : index
    %get3A_17 = vector.load %arg5[%get3A_14, %get3A_15, %get3A_16] : memref<32x11x16xf32, #tpu.memory_space<vmem>>, vector<32x1x16xf32>
    %reshape3A_18 = vector.shape_cast %get3A_17 : vector<32x1x16xf32> to vector<32x16xf32>
    %get3A_19 = arith.constant 0 : index
    %get3A_20 = arith.constant 10 : index
    %get3A_21 = arith.constant 0 : index
    %get3A_22 = vector.load %arg5[%get3A_19, %get3A_20, %get3A_21] : memref<32x11x16xf32, #tpu.memory_space<vmem>>, vector<8x1x16xf32>
    %reshape3A_23 = vector.shape_cast %get3A_22 : vector<8x1x16xf32> to vector<8x16xf32>
    %iota3A = tpu.iota {dimensions = array<i32: 0>} : vector<8x16xi32>
    %eq3A = arith.constant 0 : i32
    %eq3A_24 = vector.broadcast %eq3A : i32 to vector<8x16xi32>
    %eq3A_25 = arith.cmpi eq, %iota3A, %eq3A_24 : vector<8x16xi32>
    %jit3A = arith.constant 0.000000e+00 : f32
    %broadcast_in_dim3A = vector.broadcast %jit3A : f32 to vector<8x16xf32>
    %select_n3A = arith.select %eq3A_25, %reshape3A_23, %broadcast_in_dim3A : vector<8x16xi1>, vector<8x16xf32>
    %get3A_26 = arith.constant 0 : index
    %get3A_27 = arith.constant 0 : index
    %get3A_28 = vector.load %arg3[%get3A_26, %get3A_27] : memref<1x200xf32, #tpu.memory_space<vmem>>, vector<1x200xf32>
    %pow3A = vector.broadcast %get3A_2 : f32 to vector<1x200xf32>
    %pow3A_29 = math.powf %get3A_28, %pow3A : vector<1x200xf32>
    %mul3A = vector.broadcast %get3A_0 : f32 to vector<1x200xf32>
    %mul3A_30 = arith.mulf %mul3A, %pow3A_29 : vector<1x200xf32>
    %get3A_31 = arith.constant 0 : index
    %get3A_32 = arith.constant 0 : index
    %get3A_33 = vector.load %arg4[%get3A_31, %get3A_32] : memref<20x200xf32, #tpu.memory_space<vmem>>, vector<20x200xf32>
    %pow3A_34 = vector.broadcast %get3A_2 : f32 to vector<20x200xf32>
    %pow3A_35 = math.powf %get3A_33, %pow3A_34 : vector<20x200xf32>
    %mul3A_36 = vector.broadcast %get3A_0 : f32 to vector<20x200xf32>
    %mul3A_37 = arith.mulf %mul3A_36, %pow3A_35 : vector<20x200xf32>
    %dot_general3A = arith.constant dense<0.000000e+00> : vector<32x200xf32>
    %dot_general3A_38 = tpu.matmul %reshape3A_18, %slice3A, %dot_general3A {dimension_numbers = #tpu.dot_dimension_numbers<[1], [1], [0], [0], [0, 0, 1, 0], [], []>, transpose_lhs_hint = false} : vector<32x16xf32>, vector<200x16xf32>, vector<32x200xf32> -> vector<32x200xf32>
    %dot_general3A_39 = arith.constant dense<0.000000e+00> : vector<32x8xf32>
    %dot_general3A_40 = tpu.matmul %reshape3A_13, %select_n3A, %dot_general3A_39 {dimension_numbers = #tpu.dot_dimension_numbers<[1], [1], [0], [0], [0, 0, 1, 0], [], []>, transpose_lhs_hint = false} : vector<32x16xf32>, vector<8x16xf32>, vector<32x8xf32> -> vector<32x8xf32>
    %reduce_sum3A = arith.constant dense<0.000000e+00> : vector<32xf32>
    %reduce_sum3A_41 = vector.multi_reduction <add>, %dot_general3A_40, %reduce_sum3A [1] : vector<32x8xf32> to vector<32xf32>
    %broadcast_in_dim3A_42 = vector.shape_cast %reduce_sum3A_41 : vector<32xf32> to vector<32x1xf32>
    %slice3A_43 = vector.extract_strided_slice %dot_general3A_38 {offsets = [0, 0], sizes = [1, 200], strides = [1, 1]} : vector<32x200xf32> to vector<1x200xf32>
    %mul3A_44 = arith.mulf %mul3A_30, %slice3A_43 : vector<1x200xf32>
    %reduce_sum3A_45 = arith.constant dense<0.000000e+00> : vector<1xf32>
    %reduce_sum3A_46 = vector.multi_reduction <add>, %mul3A_44, %reduce_sum3A_45 [1] : vector<1x200xf32> to vector<1xf32>
    %broadcast_in_dim3A_47 = vector.shape_cast %reduce_sum3A_46 : vector<1xf32> to vector<1x1xf32>
    %mul3A_48 = arith.constant 5.000000e-03 : f32
    %mul3A_49 = vector.broadcast %mul3A_48 : f32 to vector<1x1xf32>
    %mul3A_50 = arith.mulf %broadcast_in_dim3A_47, %mul3A_49 : vector<1x1xf32>
    %slice3A_51 = vector.extract_strided_slice %dot_general3A_38 {offsets = [1, 0], sizes = [20, 200], strides = [1, 1]} : vector<32x200xf32> to vector<20x200xf32>
    %mul3A_52 = arith.mulf %mul3A_37, %slice3A_51 : vector<20x200xf32>
    %reduce_sum3A_53 = arith.constant dense<0.000000e+00> : vector<20xf32>
    %reduce_sum3A_54 = vector.multi_reduction <add>, %mul3A_52, %reduce_sum3A_53 [1] : vector<20x200xf32> to vector<20xf32>
    %broadcast_in_dim3A_55 = vector.shape_cast %reduce_sum3A_54 : vector<20xf32> to vector<20x1xf32>
    %mul3A_56 = arith.constant 5.000000e-03 : f32
    %mul3A_57 = vector.broadcast %mul3A_56 : f32 to vector<20x1xf32>
    %mul3A_58 = arith.mulf %broadcast_in_dim3A_55, %mul3A_57 : vector<20x1xf32>
    %slice3A_59 = vector.extract_strided_slice %broadcast_in_dim3A_42 {offsets = [0, 0], sizes = [1, 1], strides = [1, 1]} : vector<32x1xf32> to vector<1x1xf32>
    %add3A = arith.addf %slice3A_59, %mul3A_50 : vector<1x1xf32>
    %neg3A = arith.constant 0.000000e+00 : f32
    %neg3A_60 = vector.broadcast %neg3A : f32 to vector<1x1xf32>
    %neg3A_61 = arith.subf %neg3A_60, %add3A : vector<1x1xf32>
    %slice3A_62 = vector.extract_strided_slice %broadcast_in_dim3A_42 {offsets = [1, 0], sizes = [20, 1], strides = [1, 1]} : vector<32x1xf32> to vector<20x1xf32>
    %add3A_63 = arith.addf %slice3A_62, %mul3A_58 : vector<20x1xf32>
    %max3A = arith.constant 0.000000e+00 : f32
    %max3A_64 = vector.broadcast %max3A : f32 to vector<1x1xf32>
    %max3A_65 = arith.maximumf %neg3A_61, %max3A_64 : vector<1x1xf32>
    %abs3A = math.absf %neg3A_61 : vector<1x1xf32>
    %neg3A_66 = arith.constant 0.000000e+00 : f32
    %neg3A_67 = vector.broadcast %neg3A_66 : f32 to vector<1x1xf32>
    %neg3A_68 = arith.subf %neg3A_67, %abs3A : vector<1x1xf32>
    %exp3A = math.exp %neg3A_68 : vector<1x1xf32>
    %log1p3A = math.log1p %exp3A : vector<1x1xf32>
    %add3A_69 = arith.addf %max3A_65, %log1p3A : vector<1x1xf32>
    %max3A_70 = arith.constant 0.000000e+00 : f32
    %max3A_71 = vector.broadcast %max3A_70 : f32 to vector<20x1xf32>
    %max3A_72 = arith.maximumf %add3A_63, %max3A_71 : vector<20x1xf32>
    %abs3A_73 = math.absf %add3A_63 : vector<20x1xf32>
    %neg3A_74 = arith.constant 0.000000e+00 : f32
    %neg3A_75 = vector.broadcast %neg3A_74 : f32 to vector<20x1xf32>
    %neg3A_76 = arith.subf %neg3A_75, %abs3A_73 : vector<20x1xf32>
    %exp3A_77 = math.exp %neg3A_76 : vector<20x1xf32>
    %log1p3A_78 = math.log1p %exp3A_77 : vector<20x1xf32>
    %add3A_79 = arith.addf %max3A_72, %log1p3A_78 : vector<20x1xf32>
    %reduce_sum3A_80 = vector.shape_cast %add3A_69 : vector<1x1xf32> to vector<1x1x1xf32>
    %reduce_sum3A_81 = arith.constant dense<0.000000e+00> : vector<1xf32>
    %reduce_sum3A_82 = vector.multi_reduction <add>, %reduce_sum3A_80, %reduce_sum3A_81 [1, 2] : vector<1x1x1xf32> to vector<1xf32>
    %reduce_sum3A_83 = vector.shape_cast %reduce_sum3A_82 : vector<1xf32> to vector<1x1x1xf32>
    %reduce_sum3A_84 = vector.extract %reduce_sum3A_83[0, 0, 0] : f32 from vector<1x1x1xf32>
    %reduce_sum3A_85 = vector.shape_cast %add3A_79 : vector<20x1xf32> to vector<1x20x1xf32>
    %reduce_sum3A_86 = arith.constant dense<0.000000e+00> : vector<1xf32>
    %reduce_sum3A_87 = vector.multi_reduction <add>, %reduce_sum3A_85, %reduce_sum3A_86 [1, 2] : vector<1x20x1xf32> to vector<1xf32>
    %reduce_sum3A_88 = vector.shape_cast %reduce_sum3A_87 : vector<1xf32> to vector<1x1x1xf32>
    %reduce_sum3A_89 = vector.extract %reduce_sum3A_88[0, 0, 0] : f32 from vector<1x1x1xf32>
    %add3A_90 = arith.addf %reduce_sum3A_84, %reduce_sum3A_89 : f32
    %neg3A_91 = arith.constant 0.000000e+00 : f32
    %neg3A_92 = arith.subf %neg3A_91, %add3A_90 : f32
    %mul3A_93 = arith.constant 1.000000e+10 : f32
    %mul3A_94 = arith.mulf %convert_element_type3A, %mul3A_93 : f32
    %add3A_95 = arith.constant 1.000000e+00 : f32
    %add3A_96 = arith.addf %add3A_95, %mul3A_94 : f32
    %log3A = math.log %add3A_96 : f32
    %add3A_97 = arith.constant 1.000000e+00 : f32
    %add3A_98 = arith.addf %add3A_97, %log3A : f32
    %neg3A_99 = arith.constant 0.000000e+00 : f32
    %neg3A_100 = arith.subf %neg3A_99, %add3A_98 : f32
    %mul3A_101 = arith.mulf %neg3A_100, %neg3A_92 : f32
    %broadcast_in_dim3A_102 = vector.broadcast %mul3A_101 : f32 to vector<1x1xf32>
    %swap3A = arith.constant 0 : index
    %swap3A_103 = arith.constant 0 : index
    %swap3A_104 = vector.load %arg6[%swap3A, %swap3A_103] : memref<1x1xf32, #tpu.memory_space<vmem>>, vector<1x1xf32>
    tpu.vector_store %arg6[%swap3A, %swap3A_103], %broadcast_in_dim3A_102 {strides = array<i32>} : memref<1x1xf32, #tpu.memory_space<vmem>>, vector<1x1xf32>,
    return
  }
}

</mosaic_0001>

<sc_bundles>
// kernel: kernel.4.cloned.1.call-start
scs
__scs_entry_jumppad:
0x0: {  	(pc) =	sbr.rel $0x88, $3  }
0x1: {  	(tag) =	ssettag $0x0;
	lr =	simm.s32 $0x1  }
0x2: {  	[smem:$0x3F94] =	sst lr;
	_ =	strace $0xD0000000  }
0x3: {  	_ = 	snop  }
0x4: {  	_ = 	snop  }
0x5: {  	_ = 	snop  }
0x6: {  	_ = 	snop  }
0x7: {  	_ = 	snop  }
__scs_overlays_trampoline_lowered:
0x8: {  	[smem:$0x3FA3] =	sst s0  }
0x9: {  	[smem:$0x3FA4] =	sst s1  }
0xa: {  	[smem:$0x3FA5] =	sst s2  }
0xb: {  	[smem:$0x3FA6] =	sst s3  }
0xc: {  	[smem:$0x3FA7] =	sst s4  }
0xd: {  	[smem:$0x3FA8] =	sst s5  }
0xe: {  	[smem:$0x3FA9] =	sst s6  }
0xf: {  	[smem:$0x3FAA] =	sst s7  }
0x10: {  	[smem:$0x3FAB] =	sst s8  }
0x11: {  	[smem:$0x3FAC] =	sst s9;
	s0 =	simm.s32 @!p0 $0x0  }
0x12: {  	s1 =	sld [smem:$0x3F92];
	s0 =	simm.s32 @p0 $0x1  }
0x13: {  	[smem:$0x3FAD] =	sst s0;
	s0 =	simm.s32 @!p1 $0x0  }
0x14: {  	s2 =	sld [smem:$0x3F91];
	s0 =	simm.s32 @p1 $0x1  }
0x15: {  	[smem:$0x3FAE] =	sst s0;
	s0 =	simm.s32 @!p2 $0x0  }
0x16: {  	s3 =	sld [smem:$0x3FDB];
	s0 =	simm.s32 @p2 $0x1  }
0x17: {  	s4 =	simm.s32 $0x1BF5;
	[smem:$0x3FB0] =	sst s0  }
0x18: {  	s0 =	sld [smem:$0x3F93];
	_ =	swait.ge [sflag:s4], $0x0  }
0x19: {  	s7 =	sld [smem:$0x3F94]  }
0x1a: {  	s8 =	sadd.s32 $0xFFFFE003, lr  }
0x1b: {  	s9 =	sadd.s32 $0xFFFFFEF7, lr;
	s5 =	simm.s32 $0xFFFFFFFF;
	p2 =	slt.u32 s8, $0xFFFFF086  }
0x1c: {  	p1 =	slt.u32 s9, $0xF7A;
	s5 =	simm.s32 @!p2 $0x0  }
0x1d: {  	s5 =	simm.s32 @p1 $0x1;
	p0 =	seq.s32 s7, s2  }
0x1e: {  	s7 =	smul.u32 @!p0 $0xF7A, s2;
	p2 =	seq.s32 @!p0 s5, $0x0  }
0x1f: {  	s9 =	smul.u32 $0xF7A, s1;
	s8 =	simm.s32 @!p0 $0x1BF5;
	p2 =	por !p2, p0  }
0x20: {  	[sflag:s8] =	ssyncset.s32 @!p0 $0xFFFFF086;
	s6 =	sadd.s32 @!p0 s3, s7;
	s7 =	simm.s32 @!p0 $0x108  }
0x21: {  	s3 =	sadd.s32 s3, s9;
	s6 =	sadd.s32 @!p0 $0x88, s6;
	s7 =	simm.s32 @p2 $0x1082  }
0x22: {  	[simem:s7], [sflag:s8] =	dma.local @!p0 [hbm:s6], $0xF7A  }
0x23: {  	s9 =	sor.u32 $0xD0000000, s2;
	s6 =	simm.s32 $0x108;
	_ =	swait.ge @!p0 [sflag:s8], $0x0  }
0x24: {  	s3 =	sadd.s32 $0x88, s3;
	s6 =	simm.s32 @!p1 $0x1082;
	[sflag:s4] =	ssyncset.s32 $0xFFFFF086  }
0x25: {  	[simem:s6], [sflag:s4] =	dma.local [hbm:s3], $0xF7A  }
0x26: {  	[smem:$0x3F94] =	sst s1;
	(tag) =	ssettag s2;
	_ =	strace s9  }
0x27: {  	s1 =	sld [smem:$0x3FA4]  }
0x28: {  	s2 =	sld [smem:$0x3FA5]  }
0x29: {  	s4 =	sld [smem:$0x3FA7]  }
0x2a: {  	p0 =	seq.s32 s5, $0x0;
	s5 =	sld [smem:$0x3FA8]  }
0x2b: {  	s6 =	sld [smem:$0x3FA9]  }
0x2c: {  	s7 =	sld [smem:$0x3FAA]  }
0x2d: {  	s3 =	simm.s32 $0x108;
	s8 =	sld [smem:$0x3FAB]  }
0x2e: {  	s3 =	simm.s32 @!p0 $0x1082;
	s9 =	sld [smem:$0x3FAC]  }
0x2f: {  	lr =	sadd.s32 s0, s3;
	s0 =	sld [smem:$0x3FA3]  }
0x30: {  	s3 =	sld [smem:$0x3FA6]  }
0x31: {  	[smem:$0x3FAF] =	sst s10  }
0x32: {  	s10 =	sld [smem:$0x3FAD];
	_ =	sdelay $0x3  }
0x33: {  	p0 =	seq.s32 s10, $0x1;
	s10 =	sld [smem:$0x3FAF];
	_ =	sdelay $0x3  }
0x34: {  	[smem:$0x3FAF] =	sst s10  }
0x35: {  	s10 =	sld [smem:$0x3FAE];
	_ =	sdelay $0x3  }
0x36: {  	p1 =	seq.s32 s10, $0x1;
	s10 =	sld [smem:$0x3FAF];
	_ =	sdelay $0x3  }
0x37: {  	[smem:$0x3FAF] =	sst s10  }
0x38: {  	s10 =	sld [smem:$0x3FB0]  }
0x39: {  	_ = 	snop;
	(pc) =	sbr.ind lr, $3  }
0x3a: {  	_ = 	snop  }
0x3b: {  	_ = 	snop  }
0x3c: {  	p2 =	seq.s32 s10, $0x1;
	s10 =	sld [smem:$0x3FAF]  }
0x3d: {  	_ =	shalt  }
0x3e: {  	_ =	shalt  }
0x3f: {  	_ =	shalt  }
0x40: {  	_ =	shalt  }
0x41: {  	_ =	shalt  }
0x42: {  	_ =	shalt  }
0x43: {  	_ =	shalt  }
0x44: {  	_ =	shalt  }
0x45: {  	_ =	shalt  }
0x46: {  	_ =	shalt  }
0x47: {  	_ =	shalt  }
0x48: {  	_ =	shalt  }
0x49: {  	_ =	shalt  }
0x4a: {  	_ =	shalt  }
0x4b: {  	_ =	shalt  }
0x4c: {  	_ =	shalt  }
0x4d: {  	_ =	shalt  }
0x4e: {  	_ =	shalt  }
0x4f: {  	_ =	shalt  }
0x50: {  	_ =	shalt  }
0x51: {  	_ =	shalt  }
0x52: {  	_ =	shalt  }
0x53: {  	_ =	shalt  }
0x54: {  	_ =	shalt  }
0x55: {  	_ =	shalt  }
0x56: {  	_ =	shalt  }
0x57: {  	_ =	shalt  }
0x58: {  	_ =	shalt  }
0x59: {  	_ =	shalt  }
0x5a: {  	_ =	shalt  }
0x5b: {  	_ =	shalt  }
0x5c: {  	_ =	shalt  }
0x5d: {  	_ =	shalt  }
0x5e: {  	_ =	shalt  }
0x5f: {  	_ =	shalt  }
0x60: {  	_ =	shalt  }
0x61: {  	_ =	shalt  }
0x62: {  	_ =	shalt  }
0x63: {  	_ =	shalt  }
0x64: {  	_ =	shalt  }
0x65: {  	_ =	shalt  }
0x66: {  	_ =	shalt  }
0x67: {  	_ =	shalt  }
0x68: {  	_ =	shalt  }
0x69: {  	_ =	shalt  }
0x6a: {  	_ =	shalt  }
0x6b: {  	_ =	shalt  }
0x6c: {  	_ =	shalt  }
0x6d: {  	_ =	shalt  }
0x6e: {  	_ =	shalt  }
0x6f: {  	_ =	shalt  }
0x70: {  	_ =	shalt  }
0x71: {  	_ =	shalt  }
0x72: {  	_ =	shalt  }
0x73: {  	_ =	shalt  }
0x74: {  	_ =	shalt  }
0x75: {  	_ =	shalt  }
0x76: {  	_ =	shalt  }
0x77: {  	_ =	shalt  }
0x78: {  	_ =	shalt  }
0x79: {  	_ =	shalt  }
0x7a: {  	_ =	shalt  }
0x7b: {  	_ =	shalt  }
0x7c: {  	_ =	shalt  }
0x7d: {  	_ =	shalt  }
0x7e: {  	_ =	shalt  }
0x7f: {  	_ =	shalt  }
0x80: {  	_ =	shalt  }
0x81: {  	_ =	shalt  }
0x82: {  	_ =	shalt  }
0x83: {  	_ =	shalt  }
0x84: {  	_ =	shalt  }
0x85: {  	_ =	shalt  }
0x86: {  	_ =	shalt  }
0x87: {  	_ =	shalt  }
.Lfunc_end0:
.L_simem_size_0:
called_computation_lowered:
.L_overlay_start_0:
0x88: {  	s2 =	sld [smem:$0x3FD9]  }
0x89: {  	s3 =	sld [smem:$0x3FFE];
	_ =	sdelay $0x1  }
0x8a: {  	s1 =	srdreg.scid  }
0x8b: {  	s0 =	sand.u32 $0x1, s1  }
0x8c: {  	s17 =	sshll.u32 s0, $0xA;
	s2 =	sadd.s32 s3, s2  }
0x8d: {  	s2 =	sadd.s32 s2, s17  }
0x8e: {  	[smem:$0x3FBB] =	sst s2  }
0x8f: {  	_ = 	snop  }
0x90: {  	s2 =	sld [smem:$0x3FC5]  }
0x91: {  	s18 =	sld [smem:$0x3FC0]  }
0x92: {  	s4 =	sld [smem:$0x3FBF]  }
0x93: {  	s5 =	sld [smem:$0x3FBE]  }
0x94: {  	s6 =	sld [smem:$0x3FBD]  }
0x95: {  	s7 =	sld [smem:$0x3FD0];
	(tm) =	ssettm $0x1  }
0x96: {  	s8 =	sld [smem:$0x3FFB];
	_ =	sdelay $0x3  }
0x97: {  	_ =	strace s8  }
0x98: {  	s8 =	sld [smem:$0x3FFC];
	_ =	sdelay $0x3  }
0x99: {  	_ =	strace s8  }
0x9a: {  	s8 =	sld [smem:$0x3FFD];
	_ =	sdelay $0x3  }
0x9b: {  	_ =	strace s8  }
0x9c: {  	_ =	strace $0x8FFFFFFF  }
0x9d: {  	s19 =	sld [smem:$0x3FDB];
	_ =	sdelay $0x1  }
0x9e: {  	s9 =	simm.s32 $_scs_section_size  }
0x9f: {  	s10 =	simm.s32 $_size__tile_overlayer_lowered;
	s11 =	simm.s32 $_tile_overlayer_lowered  }
0xa0: {  	s22 =	simm.s32 $0x1BFF;
	s21 =	sshll.u32 s11, $0x1;
	s8 =	sadd.s32 s9, s19  }
0xa1: {  	s12 =	simm.s32 $0x0;
	s20 =	sshll.u32 s10, $0x1;
	s10 =	sadd.s32 s21, s8  }
0xa2: {  	[timem:s12], [sflag:s22] =	dma.local [hbm:s10], s20  }
0xa3: {  	_ =	swait.ge [sflag:s22], s20  }
0xa4: {  	s9 =	ssub.s32 $0x0, s20;
	[sflag:s22] =	ssyncset.done $0x0  }
0xa5: {  	[sflag:s22] =	ssyncadd.s32 s9;
	_ =	sdelay $0x1  }
0xa6: {  	s23 =	simm.s32 $0x1B8B  }
0xa7: {  	_ =	swait.ge [sflag:s23], $0x1  }
0xa8: {  	[sflag:s23] =	ssyncset.done $0x0  }
0xa9: {  	s25 =	simm.s32 $0x1B8E;
	s24 =	sld [smem:$0x3FFE];
	[sflag:s23] =	ssyncadd.s32 $0xFFFFFFFF  }
0xaa: {  	s26 =	simm.s32 $execute0_lowered;
	[smem:$0x3FD2] =	sst s25  }
0xab: {  	s10 =	sshll.u32 s26, $0x1;
	_ =	strace $0x80000046;
	[dreg:$0x1] =	wrdreg $0xFFFFFFFF  }
0xac: {  	s28 =	simm.s32 $_size_execute0_lowered;
	s8 =	sadd.s32 s8, s10;
	[dreg:$0x0] =	wrdreg $0x0  }
0xad: {  	s10 =	sshll.u32 s28, $0x1;
	[dreg:$0x2] =	wrdreg s8  }
0xae: {  	[dreg:$0x3] =	wrdreg s10  }
0xaf: {  	[dreg:$0x4] =	wrdreg $0xC0  }
0xb0: {  	_ =	task [dreg:s12], $0x5FFFF  }
0xb1: {  	[dreg:$0x1] =	wrdreg $0xFFFFFFFF  }
0xb2: {  	[dreg:$0x0] =	wrdreg $0x60  }
0xb3: {  	[dreg:$0x2] =	wrdreg s5  }
0xb4: {  	[dreg:$0x3] =	wrdreg s4  }
0xb5: {  	[dreg:$0x4] =	wrdreg s6  }
0xb6: {  	[dreg:$0x5] =	wrdreg s18  }
0xb7: {  	[dreg:$0x6] =	wrdreg s2  }
0xb8: {  	[dreg:$0x7] =	wrdreg s7  }
0xb9: {  	[dreg:$0x8] =	wrdreg s24  }
0xba: {  	[dreg:$0x9] =	wrdreg $0x9  }
0xbb: {  	_ =	task.clear_ibuf [dreg:s12], $0xAFFFF;
	_ =	strace $0x90000046  }
0xbc: {  	s29 =	simm.s32 $0x9;
	_ =	strace $0x80000048  }
0xbd: {  	_ =	swait.ge [sflag:s29], $0x1  }
0xbe: {  	[sflag:s29] =	ssyncadd.s32 $0xFFFFFFFF  }
0xbf: {  	_ =	strace $0x90000048  }
0xc0: {  	_ =	sfence  }
0xc1: {  	s30 =	sld [smem:$0x0];
	_ =	sdelay $0x2  }
0xc2: {  	s31 =	sshll.u32 s1, $0xD;
	s1 =	sshrl.u32 s1, $0x2  }
0xc3: {  	s3 =	sand.u32 $0x4000, s31;
	s1 =	sadd.s32 s1, s30  }
0xc4: {  	s0 =	sor.u32 s3, s0;
	s1 =	sshll.u32 s1, $0x11  }
0xc5: {  	s0 =	sor.u32 s1, s0  }
0xc6: {  	s0 =	sadd.s32 $0x8F2B, s0  }
0xc7: {  	[sflag:s0] =	ssyncadd.remote.s32 $0x1  }
0xc8: {  	_ =	sfence.sel $0xFFFF  }
0xc9: {  	[dreg:$0x0] =	wrdreg $0xFFFFFFFF;
	(pc) =	sbr.abs _section_cstart, $3  }
0xca: {  	[dreg:$0x1] =	wrdreg $0xFFFFFFFF  }
0xcb: {  	_ =	task.clear_ibuf [dreg:s12], $0x2FFFF;
	_ =	strace $0x9FFFFFFF  }
0xcc: {  	(tm) =	ssettm $0x7FFFFFFF  }
0xcd: {  	_ =	shalt  }
tec
execute0_lowered:
.L_overlay_start_1:
0x0: {  	(tag) =	ssettag $0x1  }
0x1: {  	s0 =	rddreg [dreg:$0x0]  }
0x2: {  	s1 =	rddreg [dreg:$0x4]  }
0x3: {  	s19 =	rddreg [dreg:$0x5]  }
0x4: {  	s2 =	rddreg [dreg:$0x6];
	s3 =	srdreg.scid  }
0x5: {  	s12 =	stileid.u32;
	s7 =	simm.s32 $0x0;
	s20 =	simm.s32 $0x80  }
0x6: {  	s14 =	simm.s32 $0x1;
	s15 =	simm.s32 $0x400;
	s16 =	simm.s32 $0x7A1400  }
0x7: {  	s21 =	simm.s32 $0x2180;
	s22 =	simm.s32 $0x2980;
	s23 =	simm.s32 $0x3180  }
0x8: {  	s24 =	simm.s32 $0x3980;
	s25 =	simm.s32 $0x2;
	s31 =	simm.s32 $0x3  }
0x9: {  	s3 =	sand.u32 $0x1, s3;
	s4 =	sshll.u32 s12, $0x1;
	[smem:$0x7FF] =	sst s7  }
0xa: {  	s9 =	sadd.s32 $0x2, s19;
	p1 =	sgt.u32 s12, $0x7;
	s4 =	sor.u32 s3, s4  }
0xb: {  	_ =	strace $0x80000047;
	s3 =	ssub.s32 $0x2, s3;
	s5 =	sshll.u32 s4, $0x3  }
.Ltmp0:
0xc: {  	s6 =	sshll.u32 s4, $0x8;
	s29 =	sshrl.u32 s3, $0x1;
	(pc) =	sbr.rel .LBB2_1-.Ltmp0, $4  }
0xd: {  	v1 =	vlaneseq.u32;
	vm1 =	vmmov $0x1;
	vm2 =	vcmask $0x308;
	s30 =	sand.u32 $0xF, s4;
	p0 =	sgt.u32 s4, $0x18;
	p2 =	sgt.u32 s4, $0x14  }
0xe: {  	vm3 =	vcmask $0x70C;
	vm4 =	vcmask $0xB10;
	vm5 =	vcmask $0xF14;
	s5 =	smin.u32 s5, $0xC0;
	s2 =	sadd.s32 s6, s2;
	s3 =	ssub.s32 s3, s29  }
0xf: {  	vm6 =	vcmask $0x1318;
	vm7 =	vcmask $0x171C;
	v0 =	vmov s30;
	p3 =	sne.s32 @!p2 s4, $0x0;
	s5 =	sshrl.u32 s5, $0x3;
	s10 =	sadd.s32 $0xA00, s2  }
0x10: {  	vm8 =	vcmask $0x1B20;
	s11 =	smax.u32 s3, $0x1;
	vm0 =	veq.s32 v0, v1;
	p3 =	por p3, p2;
	v0 =	vmul.u32 $0x80, v1;
	s8 =	sadd.s32 s1, s5  }
.LBB2_3:
0x11: {  	s17 =	sand.u32 $0x7F, s26  }
0x12: {  	v1 =	vor.u32 s17, v0;
	_ =	sdelay $0x3  }
0x13: {  	s26 =	simm.s32 $0x180  }
0x14: {  	s28 =	sand.u32 $0x7F, s28;
	v1 =	vld.idx.msk [tilespmem:v1+s26+$0x0], $0xffff  }
0x15: {  	v2 =	vor.u32 s28, v0;
	_ =	sdelay $0x3  }
0x16: {  	s29 =	simm.s32 $0x980;
	[tilespmem:$0x5980] =	vst v1  }
0x17: {  	s13 =	sand.u32 $0x7F, s13;
	v1 =	vld.idx.msk [tilespmem:v2+s29+$0x0], $0xffff  }
0x18: {  	v2 =	vor.u32 s13, v0;
	_ =	sdelay $0x3  }
0x19: {  	s30 =	simm.s32 $0x1180;
	[tilespmem:$0x5A00] =	vst v1  }
0x1a: {  	s12 =	sand.u32 $0x7F, s12;
	v1 =	vld.idx.msk [tilespmem:v2+s30+$0x0], $0xffff  }
0x1b: {  	v2 =	vor.u32 s12, v0;
	_ =	sdelay $0x3  }
0x1c: {  	s17 =	simm.s32 $0x1980;
	[tilespmem:$0x5A80] =	vst v1  }
0x1d: {  	s6 =	sand.u32 $0x7F, s6;
	v1 =	vld.idx.msk [tilespmem:v2+s17+$0x0], $0xffff  }
0x1e: {  	v2 =	vor.u32 s6, v0;
	_ =	sdelay $0x3  }
0x1f: {  	[tilespmem:$0x5B00] =	vst v1  }
0x20: {  	s4 =	sand.u32 $0x7F, s4;
	v1 =	vld.idx.msk [tilespmem:v2+s21+$0x0], $0xffff  }
0x21: {  	v2 =	vor.u32 s4, v0;
	_ =	sdelay $0x3  }
0x22: {  	[tilespmem:$0x5B80] =	vst v1  }
0x23: {  	s3 =	sand.u32 $0x7F, s3;
	v1 =	vld.idx.msk [tilespmem:v2+s22+$0x0], $0xffff  }
0x24: {  	v2 =	vor.u32 s3, v0;
	_ =	sdelay $0x3  }
0x25: {  	[tilespmem:$0x5C00] =	vst v1  }
0x26: {  	s2 =	sand.u32 $0x7F, s2;
	v1 =	vld.idx.msk [tilespmem:v2+s23+$0x0], $0xffff  }
0x27: {  	v2 =	vor.u32 s2, v0;
	_ =	sdelay $0x3  }
0x28: {  	[tilespmem:$0x5C80] =	vst v1  }
0x29: {  	s18 =	sand.u32 $0x7F, s5;
	v1 =	vld.idx.msk [tilespmem:v2+s24+$0x0], $0xffff  }
0x2a: {  	v2 =	vor.u32 s18, v0;
	_ =	sdelay $0x3  }
0x2b: {  	s26 =	simm.s32 $0x4180;
	[tilespmem:$0x5D00] =	vst v1  }
0x2c: {  	v1 =	vld.idx.msk [tilespmem:v2+s26+$0x0], $0xffff;
	_ =	sdelay $0x4  }
0x2d: {  	s28 =	simm.s32 $0x4980;
	[tilespmem:$0x5D80] =	vst v1  }
0x2e: {  	s1 =	sand.u32 $0x7F, s1;
	v1 =	vld.idx.msk [tilespmem:v2+s28+$0x0], $0xffff  }
0x2f: {  	v2 =	vor.u32 s1, v0;
	_ =	sdelay $0x3  }
0x30: {  	s29 =	simm.s32 $0x5180;
	[tilespmem:$0x5E00] =	vst v1  }
0x31: {  	v1 =	vld.idx.msk [tilespmem:v2+s29+$0x0], $0xffff;
	_ =	sdelay $0x2  }
0x32: {  	s11 =	sadd.s32 $0xFFFFFFFF, s11  }
0x33: {  	p4 =	sne.s32 s11, $0x0  }
.Ltmp1:
0x34: {  	s30 =	simm.s32 $0x5980;
	[tilespmem:$0x5E80] =	vst v1;
	(pc) =	sbr.rel @!p4 .LBB2_4-.Ltmp1, $4  }
0x35: {  	[hbm4b:s10+s7] =	stream.linear.scatter [tilespmem:s30], [sflag:$0x3], $0x580, $0x38;
	[tilespmem:$0x6180] =	vst v63  }
0x36: {  	_ =	swait.ge [sflag:s31], $0x580  }
0x37: {  	[sflag:s31] =	ssyncset.done $0x0  }
0x38: {  	[sflag:s31] =	ssyncadd.s32 $0xFFFFFA80  }
.LBB2_1:
0x39: {  	[tilespmem:s7], [sflag:$0x1] =	stream.linear.gather [hbm4b:s8+s7], $0x10, $0x38;
	[tilespmem:$0x6180] =	vst v63  }
0x3a: {  	_ = 	snop  }
0x3b: {  	[tilespmem:s20], [sflag:$0x1] =	stream.linear.gather [hbm4b:s19+s7], $0x10, $0x38;
	[tilespmem:$0x6180] =	vst v63  }
0x3c: {  	s1 =	simm.s32 $0x100  }
0x3d: {  	[tilespmem:s1], [sflag:$0x1] =	stream.linear.gather [hbm4b:s9+s7], $0x10, $0x38;
	[tilespmem:$0x6180] =	vst v63  }
0x3e: {  	_ =	swait.ge [sflag:s14], $0x10  }
0x3f: {  	[sflag:s14] =	ssyncset.done $0x0  }
0x40: {  	[sflag:s14] =	ssyncadd.s32 $0xFFFFFFF0  }
0x41: {  	_ =	swait.ge [sflag:s14], $0x10  }
0x42: {  	[sflag:s14] =	ssyncset.done $0x0  }
0x43: {  	[sflag:s14] =	ssyncadd.s32 $0xFFFFFFF0  }
0x44: {  	_ =	swait.ge [sflag:s14], $0x10  }
0x45: {  	[sflag:s14] =	ssyncset.done $0x0  }
0x46: {  	[sflag:s14] =	ssyncadd.s32 $0xFFFFFFF0  }
0x47: {  	v1 =	vld [tilespmem:$0x100]  }
0x48: {  	v2 =	vld [tilespmem:$0x80];
	_ =	sdelay $0x1  }
0x49: {  	v3 =	vld [tilespmem:$0x0];
	_ =	sdelay $0x2  }
0x4a: {  	v2 =	vpsel p1, v1, v2  }
0x4b: {  	v2 =	vnsel vm0, $0x0, v2  }
0x4c: {  	(xrf0) =	vadd.scan.msk.s32 $0xffff, v2;
	v2 =	vnsel vm1, $0x0, v3  }
0x4d: {  	(xrf0) =	vadd.scan.msk.s32 $0xffff, v2;
	v2 =	vsel vm2, $0x0, v3  }
0x4e: {  	(xrf0) =	vadd.scan.msk.s32 $0xffff, v2;
	v2 =	vsel vm3, $0x0, v3  }
0x4f: {  	(xrf0) =	vadd.scan.msk.s32 $0xffff, v2;
	v2 =	vsel vm4, $0x0, v3  }
0x50: {  	(xrf0) =	vadd.scan.msk.s32 $0xffff, v2;
	v2 =	vsel vm5, $0x0, v3  }
0x51: {  	(xrf0) =	vadd.scan.msk.s32 $0xffff, v2;
	v2 =	vsel vm6, $0x0, v3  }
0x52: {  	v4, _, _ =	vpop (xrf0);
	(xrf0) =	vadd.scan.msk.s32 $0xffff, v2;
	v2 =	vsel vm7, $0x0, v3  }
0x53: {  	(v2sf) =	vpush v4, $0xF;
	v63, _, _ =	vpop (xrf0);
	(xrf0) =	vadd.scan.msk.s32 $0xffff, v2;
	v2 =	vsel vm8, $0x0, v3  }
0x54: {  	v1 =	vsel vm6, $0x0, v1;
	(v2sf) =	vpush v63, $0xF;
	v3, _, _ =	vpop (xrf0)  }
0x55: {  	(v2sf) =	vpush v3, $0xF  }
0x56: {  	(xrf0) =	vadd.scan.msk.s32 $0xffff, v2;
	v2, _, _ =	vpop (xrf0)  }
0x57: {  	(xrf0) =	vadd.scan.msk.s32 $0xffff, v1;
	v1, _, _ =	vpop (xrf0);
	(v2sf) =	vpush v2, $0xF  }
0x58: {  	v2, _, _ =	vpop (xrf0);
	(v2sf) =	vpush v1, $0xF  }
0x59: {  	v1, _, _ =	vpop (xrf0);
	(v2sf) =	vpush v2, $0xF  }
0x5a: {  	v2, _, _ =	vpop (xrf0);
	(v2sf) =	vpush v1, $0xF  }
0x5b: {  	(v2sf) =	vpush v2, $0xF  }
0x5c: {  	v1, _, _ =	vpop (xrf0)  }
0x5d: {  	(v2sf) =	vpush v1, $0xF  }
0x5e: {  	v1, _, _ =	vpop (xrf0)  }
0x5f: {  	(v2sf) =	vpush v1, $0xF;
	_ =	sdelay $0x2  }
0x60: {  	s1 =	spop (v2sf)  }
0x61: {  	s2 =	spop (v2sf)  }
0x62: {  	s3 =	spop (v2sf);
	p4 =	sgt.s32 s2, $0x0  }
0x63: {  	s2 =	simm.s32 @!p4 $0x0;
	p4 =	sgt.s32 s3, $0x0  }
0x64: {  	s4 =	spop (v2sf);
	s3 =	simm.s32 @!p4 $0x0  }
0x65: {  	s26 =	smin.u32 s2, $0xF423F;
	s5 =	spop (v2sf);
	p4 =	sgt.s32 s4, $0x0  }
0x66: {  	s6 =	spop (v2sf);
	s4 =	simm.s32 @!p4 $0x0;
	p4 =	sgt.s32 s5, $0x0  }
0x67: {  	s28 =	smin.u32 s3, $0xF423F;
	s29 =	spop (v2sf);
	s5 =	simm.s32 @!p4 $0x0  }
0x68: {  	p4 =	sgt.s32 s6, $0x0;
	s13 =	smin.u32 s4, $0xF423F;
	s30 =	spop (v2sf)  }
0x69: {  	s6 =	simm.s32 @!p4 $0x0;
	p4 =	sgt.s32 s29, $0x0;
	s12 =	smin.u32 s5, $0xF423F  }
0x6a: {  	s17 =	spop (v2sf);
	s29 =	simm.s32 @!p4 $0x0;
	p4 =	sgt.s32 s30, $0x0  }
.Ltmp2:
0x6b: {  	s30 =	simm.s32 @!p4 $0x0;
	p4 =	sgt.s32 s17, $0x0;
	(pc) =	sbr.rel @p0 .LBB2_3-.Ltmp2, $4  }
0x6c: {  	s18 =	spop (v2sf);
	s17 =	simm.s32 @!p4 $0x0;
	p4 =	sgt.s32 s1, $0x0  }
0x6d: {  	s6 =	smin.u32 s6, $0xF423F;
	s1 =	simm.s32 @!p4 $0x0;
	p4 =	sgt.s32 s18, $0x0  }
0x6e: {  	s4 =	smin.u32 s29, $0xF423F;
	s3 =	smin.u32 s30, $0xF423F;
	s18 =	simm.s32 @!p4 $0x0  }
0x6f: {  	s2 =	smin.u32 s17, $0xF423F;
	s5 =	smin.u32 s1, $0xF423F;
	s1 =	smin.u32 s18, $0xF423F  }
0x70: {  	s17 =	sand.u32 $0xFFF80, s26  }
0x71: {  	s18 =	simm.s32 $0x180;
	s29 =	sand.u32 $0xFFF80, s28;
	s17 =	sadd.s32 s0, s17  }
0x72: {  	[tilespmem:s18], [sflag:$0x2] =	stream.strided.gather [hbm4b:s17+s15], $0x800, s16, s15, $0x38;
	[tilespmem:$0x6180] =	vst v63  }
0x73: {  	s30 =	simm.s32 $0x980;
	s17 =	sadd.s32 s0, s29;
	s18 =	sand.u32 $0xFFF80, s13  }
0x74: {  	[tilespmem:s30], [sflag:$0x2] =	stream.strided.gather [hbm4b:s17+s15], $0x800, s16, s15, $0x38;
	[tilespmem:$0x6180] =	vst v63  }
0x75: {  	s20 =	simm.s32 $0x1180;
	s29 =	sand.u32 $0xFFF80, s12;
	s17 =	sadd.s32 s0, s18  }
0x76: {  	[tilespmem:s20], [sflag:$0x2] =	stream.strided.gather [hbm4b:s17+s15], $0x800, s16, s15, $0x38;
	[tilespmem:$0x6180] =	vst v63  }
0x77: {  	s30 =	simm.s32 $0x1980;
	s18 =	sand.u32 $0xFFF80, s6;
	s17 =	sadd.s32 s0, s29  }
0x78: {  	[tilespmem:s30], [sflag:$0x2] =	stream.strided.gather [hbm4b:s17+s15], $0x800, s16, s15, $0x38;
	[tilespmem:$0x6180] =	vst v63  }
0x79: {  	s20 =	sand.u32 $0xFFF80, s4;
	s17 =	sadd.s32 s0, s18  }
0x7a: {  	[tilespmem:s21], [sflag:$0x2] =	stream.strided.gather [hbm4b:s17+s15], $0x800, s16, s15, $0x38;
	[tilespmem:$0x6180] =	vst v63  }
0x7b: {  	s29 =	sand.u32 $0xFFF80, s3;
	s17 =	sadd.s32 s0, s20  }
0x7c: {  	[tilespmem:s22], [sflag:$0x2] =	stream.strided.gather [hbm4b:s17+s15], $0x800, s16, s15, $0x38;
	[tilespmem:$0x6180] =	vst v63  }
0x7d: {  	s30 =	sand.u32 $0xFFF80, s2;
	s17 =	sadd.s32 s0, s29  }
0x7e: {  	[tilespmem:s23], [sflag:$0x2] =	stream.strided.gather [hbm4b:s17+s15], $0x800, s16, s15, $0x38;
	[tilespmem:$0x6180] =	vst v63  }
0x7f: {  	s18 =	rddreg [dreg:$0x1];
	s17 =	sadd.s32 s0, s30  }
0x80: {  	[tilespmem:s24], [sflag:$0x2] =	stream.strided.gather [hbm4b:s17+s15], $0x800, s16, s15, $0x38;
	[tilespmem:$0x6180] =	vst v63  }
0x81: {  	s20 =	smov.u32 s19;
	s19 =	simm.s32 @!p2 $0x4180;
	s17 =	sand.u32 @!p2 $0xFFF80, s5  }
0x82: {  	s29 =	simm.s32 @!p2 $0x400;
	s30 =	simm.s32 @!p2 $0x7A1400;
	s18 =	sadd.s32 @!p2 s18, s17  }
0x83: {  	[tilespmem:s19], [sflag:$0x2] =	stream.strided.gather @!p2 [hbm4b:s18+s29], $0x800, s30, s29, $0x38;
	[tilespmem:$0x6180] =	vst v63  }
0x84: {  	s18 =	rddreg [dreg:$0x2]  }
0x85: {  	s17 =	sadd.s32 @!p2 s18, s17;
	s18 =	simm.s32 @!p2 $0x4980  }
0x86: {  	[tilespmem:s18], [sflag:$0x2] =	stream.strided.gather @!p2 [hbm4b:s17+s29], $0x800, s30, s29, $0x38;
	[tilespmem:$0x6180] =	vst v63  }
0x87: {  	s19 =	simm.s32 @!p3 $0x7A1400;
	s17 =	sand.u32 @!p3 $0xFFF80, s1;
	s18 =	rddreg [dreg:$0x3]  }
0x88: {  	s29 =	simm.s32 @!p3 $0x5180;
	s17 =	sadd.s32 @!p3 s18, s17;
	s18 =	simm.s32 @!p3 $0x400  }
0x89: {  	[tilespmem:s29], [sflag:$0x2] =	stream.strided.gather @!p3 [hbm4b:s17+s18], $0x800, s19, s18, $0x38;
	[tilespmem:$0x6180] =	vst v63  }
0x8a: {  	s17 =	simm.s32 @!p3 $0x2  }
0x8b: {  	_ =	swait.ge @!p3 [sflag:s17], $0x800  }
0x8c: {  	[sflag:s17] =	ssyncset.done @!p3 $0x0  }
0x8d: {  	[sflag:s17] =	ssyncadd.s32 @!p3 $0xFFFFF800;
	s17 =	simm.s32 @!p2 $0x2  }
0x8e: {  	_ =	swait.ge @!p2 [sflag:s17], $0x800  }
0x8f: {  	[sflag:s17] =	ssyncset.done @!p2 $0x0  }
0x90: {  	[sflag:s17] =	ssyncadd.s32 @!p2 $0xFFFFF800  }
0x91: {  	_ =	swait.ge @!p2 [sflag:s17], $0x800  }
0x92: {  	[sflag:s17] =	ssyncset.done @!p2 $0x0  }
0x93: {  	[sflag:s17] =	ssyncadd.s32 @!p2 $0xFFFFF800  }
0x94: {  	_ =	swait.ge [sflag:s25], $0x800  }
0x95: {  	[sflag:s25] =	ssyncset.done $0x0  }
0x96: {  	[sflag:s25] =	ssyncadd.s32 $0xFFFFF800  }
0x97: {  	_ =	swait.ge [sflag:s25], $0x800  }
0x98: {  	[sflag:s25] =	ssyncset.done $0x0  }
0x99: {  	[sflag:s25] =	ssyncadd.s32 $0xFFFFF800  }
0x9a: {  	_ =	swait.ge [sflag:s25], $0x800  }
0x9b: {  	[sflag:s25] =	ssyncset.done $0x0  }
0x9c: {  	[sflag:s25] =	ssyncadd.s32 $0xFFFFF800  }
0x9d: {  	_ =	swait.ge [sflag:s25], $0x800  }
0x9e: {  	[sflag:s25] =	ssyncset.done $0x0  }
0x9f: {  	[sflag:s25] =	ssyncadd.s32 $0xFFFFF800  }
0xa0: {  	_ =	swait.ge [sflag:s25], $0x800  }
0xa1: {  	[sflag:s25] =	ssyncset.done $0x0  }
0xa2: {  	[sflag:s25] =	ssyncadd.s32 $0xFFFFF800  }
0xa3: {  	_ =	swait.ge [sflag:s25], $0x800  }
0xa4: {  	[sflag:s25] =	ssyncset.done $0x0  }
0xa5: {  	[sflag:s25] =	ssyncadd.s32 $0xFFFFF800  }
0xa6: {  	_ =	swait.ge [sflag:s25], $0x800  }
.Ltmp3:
0xa7: {  	[sflag:s25] =	ssyncset.done $0x0;
	(pc) =	sbr.rel .LBB2_3-.Ltmp3, $4  }
0xa8: {  	[sflag:s25] =	ssyncadd.s32 $0xFFFFF800  }
0xa9: {  	_ =	swait.ge [sflag:s25], $0x800  }
0xaa: {  	[sflag:s25] =	ssyncset.done $0x0  }
0xab: {  	s19 =	smov.u32 s20;
	s20 =	simm.s32 $0x80;
	[sflag:s25] =	ssyncadd.s32 $0xFFFFF800  }
.LBB2_4:
0xac: {  	_ =	sfence.sel $0x180000  }
0xad: {  	[bflag:$0x0] =	sbarrier.arrive $0xFFFF  }
0xae: {  	_ =	strace $0x90000047  }
0xaf: {  	s0 =	stileid.u32;
	[bflag:$0x2] =	sbarrier.arrive $0xFFFF  }
0xb0: {  	p0 =	sne.s32 s0, $0x0;
	s0 =	rddreg [dreg:$0x7]  }
0xb1: {  	s0 =	sadd.s32 @!p0 $0x100000, s0  }
0xb2: {  	[sflag:s0] =	ssyncadd.tile.s32 @!p0 $0x1;
	_ =	shalt  }
.Lfunc_end2:
_tile_overlayer_lowered:
.L_overlay_start_2:
0xb3: {  	(tag) =	ssettag $0x2  }
0xb4: {  	s0 =	rddreg [dreg:$0x0];
	s2 =	stileid.u32  }
0xb5: {  	s1 =	rddreg [dreg:$0x1];
	p0 =	sne.s32 s2, $0x0  }
0xb6: {  	s3 =	rddreg [dreg:$0x2];
	[bflag:$0x3] =	sbarrier.arrive $0xFFFF;
	s2 =	simm.s32 @!p0 $0x1C03  }
0xb7: {  	[timem:s3], [sflag:s2] =	dma.local @!p0 [hbm:s0], s1  }
0xb8: {  	s0 =	simm.s32 @!p0 $0x3  }
0xb9: {  	_ =	swait.ge @!p0 [sflag:s0], s1  }
0xba: {  	s1 =	ssub.s32 @!p0 $0x0, s1;
	[sflag:s0] =	ssyncset.done @!p0 $0x0  }
0xbb: {  	[sflag:s0] =	ssyncadd.s32 @!p0 s1  }
0xbc: {  	[bflag:$0x3] =	sbarrier.arrive $0xFFFF  }
0xbd: {  	_ =	shalt  }

</sc_bundles>
